<compile_context>
chip_gen: v7x
topology: tpu7x:2x2x1
jax: 0.10.2.dev20260603
libtpu: 0.0.44.dev20260713+nightly
codegen_flags: <defaults>
</compile_context>

<pallas_src>
import jax
import jax.numpy as jnp
from jax.experimental import pallas as pl
from jax.experimental.pallas import tpu as pltpu
from jax.experimental.pallas import tpu_sc as plsc

_SPREAD = 8192


def _sc_gather(table, ids, n, embed):
    b, s = ids.shape
    rows_per_block = 4
    mesh = plsc.VectorSubcoreMesh(core_axis_name="c", subcore_axis_name="s")

    @pl.kernel(
        out_type=jax.ShapeDtypeStruct((n, embed), jnp.float32),
        mesh=mesh,
        compiler_params=pltpu.CompilerParams(use_tc_tiling_on_sc=False),
    )
    def gather_kernel(table_hbm, ids_hbm, out_hbm):
        def body(i_vmem, o_vmem):
            for r in range(rows_per_block):
                pltpu.sync_copy(
                    table_hbm.at[i_vmem.at[r]],
                    o_vmem.at[pl.ds(r * s, s)],
                )

        pltpu.emit_pipeline(
            body,
            grid=(b // rows_per_block,),
            in_specs=[pl.BlockSpec((rows_per_block, s), lambda i: (i, 0))],
            out_specs=[pl.BlockSpec((rows_per_block * s, embed), lambda i: (i, 0))],
            core_axis_name=("c", "s"),
            dimension_semantics=(pltpu.PARALLEL,),
        )(ids_hbm, out_hbm)

    return gather_kernel(table, ids)


def _tc_body(g_ref, p_ref, ga_ref, be_ref, o_ref):
    rows, lanes = g_ref.shape
    prow = p_ref.shape[0]
    embed = lanes // 2
    x = g_ref[...] + jnp.tile(p_ref[...], (rows // prow, 1))
    li = jax.lax.broadcasted_iota(jnp.int32, (lanes, lanes), 0) // embed
    lj = jax.lax.broadcasted_iota(jnp.int32, (lanes, lanes), 1) // embed
    bd = jnp.where(li == lj, 1.0 / embed, 0.0).astype(jnp.float32)
    mean = jax.lax.dot(x, bd, preferred_element_type=jnp.float32)
    meansq = jax.lax.dot(x * x, bd, preferred_element_type=jnp.float32)
    var = meansq - mean * mean
    o_ref[...] = (x - mean) * jax.lax.rsqrt(var + 1e-5) * ga_ref[...] + be_ref[...]


def kernel(input_ids, mask, token_table, pos_table, mask_embedding, gamma, beta):
    b, s = input_ids.shape
    vocab, embed = token_table.shape
    n = b * s

    table_ext = jnp.concatenate(
        [token_table, jnp.broadcast_to(mask_embedding.reshape(1, embed), (_SPREAD, embed))],
        axis=0,
    )
    lin = jax.lax.broadcasted_iota(jnp.int32, (b, s), 0) * s + jax.lax.broadcasted_iota(
        jnp.int32, (b, s), 1
    )
    ids = jnp.where(mask != 0, vocab + (lin & (_SPREAD - 1)), input_ids.astype(jnp.int32))

    gathered = _sc_gather(table_ext, ids, n, embed)
    gp = gathered.reshape(n // 2, 2 * embed)

    pos2 = pos_table[:s].reshape(s // 2, 2 * embed)
    ga2 = jnp.tile(gamma, 2).reshape(1, 2 * embed)
    be2 = jnp.tile(beta, 2).reshape(1, 2 * embed)

    bb = 128
    rows = bb * s // 2
    out = pl.pallas_call(
        _tc_body,
        grid=(b // bb,),
        compiler_params=pltpu.CompilerParams(dimension_semantics=("parallel",)),
        in_specs=[
            pl.BlockSpec((rows, 2 * embed), lambda i: (i, 0)),
            pl.BlockSpec((s // 2, 2 * embed), lambda i: (0, 0)),
            pl.BlockSpec((1, 2 * embed), lambda i: (0, 0)),
            pl.BlockSpec((1, 2 * embed), lambda i: (0, 0)),
        ],
        out_specs=pl.BlockSpec((rows, 2 * embed), lambda i: (i, 0)),
        out_shape=jax.ShapeDtypeStruct((n // 2, 2 * embed), jnp.float32),
    )(gp, pos2, ga2, be2)
    return out.reshape(b, s, embed)

# --- scband reference (transcript-rebuilt; emitter-appended) ---
"""Pipeline reference for scband-text-embeddings-with-mask-18915035971967 (READ-ONLY COPY).

The authoritative reference and input builder live on the scoring server;
editing this copy changes nothing except your own understanding.
"""

import jax, jax.numpy as jnp
import numpy as np

VOCAB = 100000
MAX_POS = 512
EMBED = 64
B, S = 1024, 200

def setup_inputs(seed: int = 0) -> dict:
    key = jax.random.key(seed)
    k1, k2, k3, k4 = jax.random.split(key, 4)
    input_ids = jax.random.randint(k1, (B, S), 0, VOCAB, dtype=jnp.int64 if jax.config.jax_enable_x64 else jnp.int32)
    mask = jax.random.randint(k2, (B, S), 0, 2, dtype=jnp.int32)
    token_table = jax.random.normal(k3, (VOCAB, EMBED), dtype=jnp.float32) * 0.02
    pos_table = jax.random.normal(k4, (MAX_POS, EMBED), dtype=jnp.float32) * 0.02
    mask_embedding = jax.random.normal(jax.random.fold_in(key, 5), (1, 1, EMBED), dtype=jnp.float32) * 0.02
    gamma = jnp.ones((EMBED,), dtype=jnp.float32)
    beta = jnp.zeros((EMBED,), dtype=jnp.float32)
    return {"input_ids": input_ids, "mask": mask, "token_table": token_table,
            "pos_table": pos_table, "mask_embedding": mask_embedding,
            "gamma": gamma, "beta": beta}

def _layer_norm(x, gamma, beta, eps=1e-5):
    mean = jnp.mean(x, axis=-1, keepdims=True)
    var = jnp.mean(jnp.square(x - mean), axis=-1, keepdims=True)
    return (x - mean) / jnp.sqrt(var + eps) * gamma + beta

def reference(input_ids, mask, token_table, pos_table, mask_embedding, gamma, beta):
    seq_length = input_ids.shape[-1]
    position_ids = jnp.arange(seq_length)[None, :]
    position_embeds = jnp.take(pos_table, position_ids, axis=0)
    inputs_embeds = jnp.take(token_table, input_ids, axis=0)
    m = mask.astype(jnp.float32)[..., None]
    inputs_embeds = inputs_embeds * (1.0 - m) + mask_embedding * m
    embeddings = inputs_embeds + position_embeds
    embeddings = _layer_norm(embeddings, gamma, beta)
    return embeddings

if __name__ == "__main__":
    import jax
    _d = setup_inputs()
    print(jax.jit(kernel)(*tuple(_d.values())))

</pallas_src>

<mosaic_0001>
#map = affine_map<(d0, d1) -> (0, 0)>
module attributes {stable_mosaic.version = 14 : i64} {
  func.func @gather_kernel(%arg0: i32, %arg1: i32, %arg2: memref<108192x64xf32, #tpu.memory_space<hbm>>, %arg3: memref<1024x200xi32, #tpu.memory_space<hbm>>, %arg4: memref<204800x64xf32, #tpu.memory_space<hbm>>) attributes {dimension_semantics = [#tpu.dimension_semantics<core_parallel>, #tpu.dimension_semantics<subcore_parallel>], iteration_bounds = array<i64: 2, 16>, scalar_prefetch = 0 : i64, scratch_operands = 0 : i64, tpu.core_type = #tpu.core_type<sc_vector_subcore>, window_params = [{transform_indices = #map}, {transform_indices = #map}, {transform_indices = #map}]} {
    %mul3A = arith.constant 1 : i32
    %mul3A_0 = arith.muli %arg1, %mul3A : i32
    %add3A = arith.constant 0 : i32
    %add3A_1 = arith.addi %add3A, %mul3A_0 : i32
    %mul3A_2 = arith.constant 16 : i32
    %mul3A_3 = arith.muli %arg0, %mul3A_2 : i32
    %add3A_4 = arith.addi %add3A_1, %mul3A_3 : i32
    %mul3A_5 = arith.constant 8 : i32
    %mul3A_6 = arith.muli %add3A_4, %mul3A_5 : i32
    "tpu.region"() ({
      %run_scoped3A = memref.alloca() : memref<2x4x200xi32, #tpu.memory_space<vmem>>
      %run_scoped3A_7 = tpu.sem_alloc : memref<2x!tpu.dma_semaphore, #tpu.memory_space<semaphore_mem>>
      %run_scoped3A_8 = memref.alloca() : memref<2x800x64xf32, #tpu.memory_space<vmem>>
      %run_scoped3A_9 = tpu.sem_alloc : memref<2x!tpu.dma_semaphore, #tpu.memory_space<semaphore_mem>>
      %add3A_10 = arith.constant 0 : i32
      %add3A_11 = arith.addi %add3A_10, %mul3A_6 : i32
      %select_n3A = arith.constant true
      %select_n3A_12 = arith.constant 0 : i32
      %select_n3A_13 = arith.constant -1 : i32
      %select_n3A_14 = arith.select %select_n3A, %select_n3A_13, %select_n3A_12 : i32
      %eq3A = arith.constant -1 : i32
      %eq3A_15 = arith.cmpi eq, %select_n3A_14, %eq3A : i32
      %select_n3A_16 = arith.constant 7 : i32
      %select_n3A_17 = arith.select %eq3A_15, %select_n3A_16, %select_n3A_14 : i32
      %add3A_18 = arith.addi %select_n3A_17, %mul3A_6 : i32
      %select_n3A_19 = arith.constant true
      %select_n3A_20 = arith.constant 0 : i32
      %select_n3A_21 = arith.constant 1 : i32
      %select_n3A_22 = arith.select %select_n3A_19, %select_n3A_21, %select_n3A_20 : i32
      %eq3A_23 = arith.constant 8 : i32
      %eq3A_24 = arith.cmpi eq, %select_n3A_22, %eq3A_23 : i32
      %select_n3A_25 = arith.constant 0 : i32
      %select_n3A_26 = arith.select %eq3A_24, %select_n3A_25, %select_n3A_22 : i32
      %add3A_27 = arith.addi %select_n3A_26, %mul3A_6 : i32
      %add3A_28 = arith.constant 1 : i32
      %add3A_29 = arith.addi %select_n3A_26, %add3A_28 : i32
      %select_n3A_30 = arith.constant true
      %select_n3A_31 = arith.select %select_n3A_30, %add3A_29, %select_n3A_26 : i32
      %eq3A_32 = arith.constant 8 : i32
      %eq3A_33 = arith.cmpi eq, %select_n3A_31, %eq3A_32 : i32
      %select_n3A_34 = arith.constant 0 : i32
      %select_n3A_35 = arith.select %eq3A_33, %select_n3A_34, %select_n3A_31 : i32
      %add3A_36 = arith.addi %select_n3A_35, %mul3A_6 : i32
      "tpu.trace_start"() <{level = 10 : i32, message = "ep_initialize_0"}> : () -> ()
      %rem3A = arith.constant 0 : i32
      %rem3A_37 = arith.constant 2 : i32
      %rem3A_38 = arith.remui %rem3A, %rem3A_37 : i32
      %mul3A_39 = arith.constant 4 : i32
      %mul3A_40 = arith.muli %mul3A_39, %add3A_11 : i32
      %dma_start3A = arith.constant 0 : i32
      %dma_start3A_41 = arith.constant 0 : i32
      %dma_start3A_42 = tpu.memref_slice %run_scoped3A[%rem3A_38, %dma_start3A, %dma_start3A_41] : memref<2x4x200xi32, #tpu.memory_space<vmem>> -> memref<1x4x200xi32, #tpu.memory_space<vmem>>
      %dma_start3A_43 = tpu.memref_squeeze %dma_start3A_42 : memref<1x4x200xi32, #tpu.memory_space<vmem>> -> memref<4x200xi32, #tpu.memory_space<vmem>>
      %dma_start3A_44 = arith.constant 0 : i32
      %dma_start3A_45 = tpu.memref_slice %arg3[%mul3A_40, %dma_start3A_44] : memref<1024x200xi32, #tpu.memory_space<hbm>> -> memref<4x200xi32, #tpu.memory_space<hbm>>
      %dma_start3A_46 = tpu.memref_slice %run_scoped3A_7[%rem3A_38] : memref<2x!tpu.dma_semaphore, #tpu.memory_space<semaphore_mem>> -> memref<1x!tpu.dma_semaphore, #tpu.memory_space<semaphore_mem>>
      %dma_start3A_47 = tpu.memref_squeeze %dma_start3A_46 : memref<1x!tpu.dma_semaphore, #tpu.memory_space<semaphore_mem>> -> memref<!tpu.dma_semaphore, #tpu.memory_space<semaphore_mem>>
      %dma_start3A_48 = arith.constant 0 : i32
      %dma_start3A_49 = arith.constant 0 : i32
      %dma_start3A_50 = tpu.memref_slice %run_scoped3A[%rem3A_38, %dma_start3A_48, %dma_start3A_49] : memref<2x4x200xi32, #tpu.memory_space<vmem>> -> memref<1x4x200xi32, #tpu.memory_space<vmem>>
      %dma_start3A_51 = tpu.memref_squeeze %dma_start3A_50 : memref<1x4x200xi32, #tpu.memory_space<vmem>> -> memref<4x200xi32, #tpu.memory_space<vmem>>
      %dma_start3A_52 = arith.constant 0 : i32
      %dma_start3A_53 = tpu.memref_slice %arg3[%mul3A_40, %dma_start3A_52] : memref<1024x200xi32, #tpu.memory_space<hbm>> -> memref<4x200xi32, #tpu.memory_space<hbm>>
      tpu.enqueue_dma source(%dma_start3A_53 : memref<4x200xi32, #tpu.memory_space<hbm>>) target(%dma_start3A_51 : memref<4x200xi32, #tpu.memory_space<vmem>>) target_semaphore(%dma_start3A_47 : memref<!tpu.dma_semaphore, #tpu.memory_space<semaphore_mem>>)
      %add3A_54 = arith.constant 0 : i32
      %add3A_55 = arith.constant 1 : i32
      %add3A_56 = arith.addi %add3A_54, %add3A_55 : i32
      %select_n3A_57 = arith.constant true
      %select_n3A_58 = arith.constant 0 : i32
      %select_n3A_59 = arith.select %select_n3A_57, %add3A_56, %select_n3A_58 : i32
      "tpu.trace_stop"() : () -> ()
      %scan3A = arith.constant 0 : i32
      %scan3A_60 = arith.constant 0 : i32
      %scan3A_61 = arith.constant 0 : i32
      %scan3A_62 = arith.constant 0 : i32
      %scan3A_63 = arith.constant 0 : i32
      %scan3A_64 = arith.constant 8 : i32
      %scan3A_65 = arith.addi %scan3A_63, %scan3A_64 : i32
      %scan3A_66 = arith.constant 1 : i32
      %scan3A_67:5 = scf.for %scan3A_121 = %scan3A_63 to %scan3A_65 step %scan3A_66 iter_args(%scan3A_122 = %select_n3A_59, %scan3A_123 = %scan3A, %scan3A_124 = %scan3A_60, %scan3A_125 = %scan3A_61, %scan3A_126 = %scan3A_62) -> (i32, i32, i32, i32, i32)  : i32 {
        %eq3A_127 = arith.constant 0 : i32
        %eq3A_128 = arith.cmpi eq, %scan3A_121, %eq3A_127 : i32
        %eq3A_129 = arith.constant 7 : i32
        %eq3A_130 = arith.cmpi eq, %scan3A_121, %eq3A_129 : i32
        %add3A_131 = arith.addi %scan3A_126, %mul3A_6 : i32
        %sub3A_132 = arith.constant 1 : i32
        %sub3A_133 = arith.subi %scan3A_126, %sub3A_132 : i32
        %select_n3A_134 = arith.constant true
        %select_n3A_135 = arith.select %select_n3A_134, %sub3A_133, %scan3A_126 : i32
        %eq3A_136 = arith.constant -1 : i32
        %eq3A_137 = arith.cmpi eq, %select_n3A_135, %eq3A_136 : i32
        %select_n3A_138 = arith.constant 7 : i32
        %select_n3A_139 = arith.select %eq3A_137, %select_n3A_138, %select_n3A_135 : i32
        %add3A_140 = arith.addi %select_n3A_139, %mul3A_6 : i32
        %add3A_141 = arith.constant 1 : i32
        %add3A_142 = arith.addi %scan3A_126, %add3A_141 : i32
        %select_n3A_143 = arith.constant true
        %select_n3A_144 = arith.select %select_n3A_143, %add3A_142, %scan3A_126 : i32
        %eq3A_145 = arith.constant 8 : i32
        %eq3A_146 = arith.cmpi eq, %select_n3A_144, %eq3A_145 : i32
        %select_n3A_147 = arith.constant 0 : i32
        %select_n3A_148 = arith.select %eq3A_146, %select_n3A_147, %select_n3A_144 : i32
        %add3A_149 = arith.addi %select_n3A_148, %mul3A_6 : i32
        %add3A_150 = arith.constant 1 : i32
        %add3A_151 = arith.addi %select_n3A_148, %add3A_150 : i32
        %select_n3A_152 = arith.constant true
        %select_n3A_153 = arith.select %select_n3A_152, %add3A_151, %select_n3A_148 : i32
        %eq3A_154 = arith.constant 8 : i32
        %eq3A_155 = arith.cmpi eq, %select_n3A_153, %eq3A_154 : i32
        %select_n3A_156 = arith.constant 0 : i32
        %select_n3A_157 = arith.select %eq3A_155, %select_n3A_156, %select_n3A_153 : i32
        %add3A_158 = arith.addi %select_n3A_157, %mul3A_6 : i32
        %ne3A = arith.cmpi ne, %add3A_131, %add3A_149 : i32
        %or3A = arith.constant false
        %or3A_159 = arith.ori %or3A, %ne3A : i1
        %or3A_160 = arith.constant false
        %or3A_161 = arith.ori %or3A_159, %or3A_160 : i1
        %ge3A = arith.constant 7 : i32
        %ge3A_162 = arith.cmpi sge, %scan3A_121, %ge3A : i32
        %not3A = arith.constant true
        %not3A_163 = arith.xori %ge3A_162, %not3A : i1
        %and3A = arith.andi %or3A_161, %not3A_163 : i1
        %convert_element_type3A = arith.extui %and3A : i1 to i32
        %cond3A = arith.constant 0 : i32
        %cond3A_164 = arith.cmpi ne, %convert_element_type3A, %cond3A : i32
        scf.if %cond3A_164 {
          "tpu.trace_start"() <{level = 10 : i32, message = "ep_copy_in"}> : () -> ()
          %rem3A_277 = arith.constant 2 : i32
          %rem3A_278 = arith.remui %scan3A_122, %rem3A_277 : i32
          %mul3A_279 = arith.constant 4 : i32
          %mul3A_280 = arith.muli %mul3A_279, %add3A_149 : i32
          %dma_start3A_281 = arith.constant 0 : i32
          %dma_start3A_282 = arith.constant 0 : i32
          %dma_start3A_283 = tpu.memref_slice %run_scoped3A[%rem3A_278, %dma_start3A_281, %dma_start3A_282] : memref<2x4x200xi32, #tpu.memory_space<vmem>> -> memref<1x4x200xi32, #tpu.memory_space<vmem>>
          %dma_start3A_284 = tpu.memref_squeeze %dma_start3A_283 : memref<1x4x200xi32, #tpu.memory_space<vmem>> -> memref<4x200xi32, #tpu.memory_space<vmem>>
          %dma_start3A_285 = arith.constant 0 : i32
          %dma_start3A_286 = tpu.memref_slice %arg3[%mul3A_280, %dma_start3A_285] : memref<1024x200xi32, #tpu.memory_space<hbm>> -> memref<4x200xi32, #tpu.memory_space<hbm>>
          %dma_start3A_287 = tpu.memref_slice %run_scoped3A_7[%rem3A_278] : memref<2x!tpu.dma_semaphore, #tpu.memory_space<semaphore_mem>> -> memref<1x!tpu.dma_semaphore, #tpu.memory_space<semaphore_mem>>
          %dma_start3A_288 = tpu.memref_squeeze %dma_start3A_287 : memref<1x!tpu.dma_semaphore, #tpu.memory_space<semaphore_mem>> -> memref<!tpu.dma_semaphore, #tpu.memory_space<semaphore_mem>>
          %dma_start3A_289 = arith.constant 0 : i32
          %dma_start3A_290 = arith.constant 0 : i32
          %dma_start3A_291 = tpu.memref_slice %run_scoped3A[%rem3A_278, %dma_start3A_289, %dma_start3A_290] : memref<2x4x200xi32, #tpu.memory_space<vmem>> -> memref<1x4x200xi32, #tpu.memory_space<vmem>>
          %dma_start3A_292 = tpu.memref_squeeze %dma_start3A_291 : memref<1x4x200xi32, #tpu.memory_space<vmem>> -> memref<4x200xi32, #tpu.memory_space<vmem>>
          %dma_start3A_293 = arith.constant 0 : i32
          %dma_start3A_294 = tpu.memref_slice %arg3[%mul3A_280, %dma_start3A_293] : memref<1024x200xi32, #tpu.memory_space<hbm>> -> memref<4x200xi32, #tpu.memory_space<hbm>>
          tpu.enqueue_dma source(%dma_start3A_294 : memref<4x200xi32, #tpu.memory_space<hbm>>) target(%dma_start3A_292 : memref<4x200xi32, #tpu.memory_space<vmem>>) target_semaphore(%dma_start3A_288 : memref<!tpu.dma_semaphore, #tpu.memory_space<semaphore_mem>>)
          "tpu.trace_stop"() : () -> ()
        } else {
        }
        %and3A_165 = arith.constant true
        %and3A_166 = arith.andi %and3A, %and3A_165 : i1
        %add3A_167 = arith.constant 1 : i32
        %add3A_168 = arith.addi %scan3A_122, %add3A_167 : i32
        %select_n3A_169 = arith.select %and3A_166, %add3A_168, %scan3A_122 : i32
        %ne3A_170 = arith.cmpi ne, %add3A_131, %add3A_149 : i32
        %or3A_171 = arith.constant false
        %or3A_172 = arith.ori %or3A_171, %ne3A_170 : i1
        %or3A_173 = arith.constant false
        %or3A_174 = arith.ori %or3A_172, %or3A_173 : i1
        %ge3A_175 = arith.constant 7 : i32
        %ge3A_176 = arith.cmpi sge, %scan3A_121, %ge3A_175 : i32
        %not3A_177 = arith.constant true
        %not3A_178 = arith.xori %ge3A_176, %not3A_177 : i1
        %and3A_179 = arith.andi %or3A_174, %not3A_178 : i1
        %ne3A_180 = arith.cmpi ne, %add3A_131, %add3A_140 : i32
        %or3A_181 = arith.constant false
        %or3A_182 = arith.ori %or3A_181, %ne3A_180 : i1
        %or3A_183 = arith.constant false
        %or3A_184 = arith.ori %or3A_182, %or3A_183 : i1
        %or3A_185 = arith.ori %or3A_184, %eq3A_128 : i1
        %convert_element_type3A_186 = arith.extui %or3A_185 : i1 to i32
        %cond3A_187 = arith.constant 0 : i32
        %cond3A_188 = arith.cmpi ne, %convert_element_type3A_186, %cond3A_187 : i32
        scf.if %cond3A_188 {
          "tpu.trace_start"() <{level = 10 : i32, message = "ep_wait_in"}> : () -> ()
          %mul3A_277 = arith.constant 4 : i32
          %mul3A_278 = arith.muli %mul3A_277, %add3A_131 : i32
          %rem3A_279 = arith.constant 2 : i32
          %rem3A_280 = arith.remui %scan3A_123, %rem3A_279 : i32
          %dma_wait3A_281 = arith.constant 0 : i32
          %dma_wait3A_282 = arith.constant 0 : i32
          %dma_wait3A_283 = tpu.memref_slice %run_scoped3A[%rem3A_280, %dma_wait3A_281, %dma_wait3A_282] : memref<2x4x200xi32, #tpu.memory_space<vmem>> -> memref<1x4x200xi32, #tpu.memory_space<vmem>>
          %dma_wait3A_284 = tpu.memref_squeeze %dma_wait3A_283 : memref<1x4x200xi32, #tpu.memory_space<vmem>> -> memref<4x200xi32, #tpu.memory_space<vmem>>
          %dma_wait3A_285 = arith.constant 0 : i32
          %dma_wait3A_286 = tpu.memref_slice %arg3[%mul3A_278, %dma_wait3A_285] : memref<1024x200xi32, #tpu.memory_space<hbm>> -> memref<4x200xi32, #tpu.memory_space<hbm>>
          %dma_wait3A_287 = tpu.memref_slice %run_scoped3A_7[%rem3A_280] : memref<2x!tpu.dma_semaphore, #tpu.memory_space<semaphore_mem>> -> memref<1x!tpu.dma_semaphore, #tpu.memory_space<semaphore_mem>>
          %dma_wait3A_288 = tpu.memref_squeeze %dma_wait3A_287 : memref<1x!tpu.dma_semaphore, #tpu.memory_space<semaphore_mem>> -> memref<!tpu.dma_semaphore, #tpu.memory_space<semaphore_mem>>
          %dma_wait3A_289 = arith.constant 0 : i32
          %dma_wait3A_290 = arith.constant 0 : i32
          %dma_wait3A_291 = tpu.memref_slice %run_scoped3A[%rem3A_280, %dma_wait3A_289, %dma_wait3A_290] : memref<2x4x200xi32, #tpu.memory_space<vmem>> -> memref<1x4x200xi32, #tpu.memory_space<vmem>>
          %dma_wait3A_292 = tpu.memref_squeeze %dma_wait3A_291 : memref<1x4x200xi32, #tpu.memory_space<vmem>> -> memref<4x200xi32, #tpu.memory_space<vmem>>
          %dma_wait3A_293 = arith.constant 0 : i32
          %dma_wait3A_294 = tpu.memref_slice %arg3[%mul3A_278, %dma_wait3A_293] : memref<1024x200xi32, #tpu.memory_space<hbm>> -> memref<4x200xi32, #tpu.memory_space<hbm>>
          tpu.wait_dma2 semaphore(%dma_wait3A_288 : memref<!tpu.dma_semaphore, #tpu.memory_space<semaphore_mem>>) src(%dma_wait3A_294 : memref<4x200xi32, #tpu.memory_space<hbm>>) dst(%dma_wait3A_292 : memref<4x200xi32, #tpu.memory_space<vmem>>)
          "tpu.trace_stop"() : () -> ()
        } else {
        }
        %ne3A_189 = arith.cmpi ne, %add3A_131, %add3A_140 : i32
        %or3A_190 = arith.constant false
        %or3A_191 = arith.ori %or3A_190, %ne3A_189 : i1
        %or3A_192 = arith.constant false
        %or3A_193 = arith.ori %or3A_191, %or3A_192 : i1
        %or3A_194 = arith.ori %or3A_193, %eq3A_128 : i1
        %convert_element_type3A_195 = arith.extui %or3A_194 : i1 to i32
        %cond3A_196 = arith.constant 0 : i32
        %cond3A_197 = arith.cmpi ne, %convert_element_type3A_195, %cond3A_196 : i32
        scf.if %cond3A_197 {
        } else {
        }
        %rem3A_198 = arith.constant 2 : i32
        %rem3A_199 = arith.remui %scan3A_123, %rem3A_198 : i32
        %rem3A_200 = arith.constant 2 : i32
        %rem3A_201 = arith.remui %scan3A_124, %rem3A_200 : i32
        %run_scoped3A_202 = arith.constant 0 : i32
        "tpu.trace_start"() <{level = 10 : i32, message = "ep_run_kernel"}> : () -> ()
        "tpu.region"() ({
          %run_scoped3A_277 = tpu.sem_alloc : memref<!tpu.dma_semaphore, #tpu.memory_space<semaphore_mem>>
          %dma_start3A_278 = arith.constant 0 : i32
          %dma_start3A_279 = arith.constant 0 : i32
          %dma_start3A_280 = tpu.memref_slice %run_scoped3A_8[%rem3A_201, %dma_start3A_278, %dma_start3A_279] : memref<2x800x64xf32, #tpu.memory_space<vmem>> -> memref<1x800x64xf32, #tpu.memory_space<vmem>>
          %dma_start3A_281 = tpu.memref_squeeze %dma_start3A_280 : memref<1x800x64xf32, #tpu.memory_space<vmem>> -> memref<800x64xf32, #tpu.memory_space<vmem>>
          %dma_start3A_282 = arith.constant 0 : i32
          %dma_start3A_283 = arith.constant 0 : i32
          %dma_start3A_284 = tpu.memref_slice %dma_start3A_281[%dma_start3A_282, %dma_start3A_283] : memref<800x64xf32, #tpu.memory_space<vmem>> -> memref<200x64xf32, #tpu.memory_space<vmem>>
          %dma_start3A_285 = arith.constant 0 : i32
          %dma_start3A_286 = arith.constant 0 : i32
          %dma_start3A_287 = tpu.memref_slice %run_scoped3A[%rem3A_199, %dma_start3A_285, %dma_start3A_286] : memref<2x4x200xi32, #tpu.memory_space<vmem>> -> memref<1x4x200xi32, #tpu.memory_space<vmem>>
          %dma_start3A_288 = tpu.memref_squeeze %dma_start3A_287 : memref<1x4x200xi32, #tpu.memory_space<vmem>> -> memref<4x200xi32, #tpu.memory_space<vmem>>
          %dma_start3A_289 = arith.constant 0 : i32
          %dma_start3A_290 = tpu.memref_slice %dma_start3A_288[%run_scoped3A_202, %dma_start3A_289] : memref<4x200xi32, #tpu.memory_space<vmem>> -> memref<1x200xi32, #tpu.memory_space<vmem>>
          %dma_start3A_291 = tpu.memref_squeeze %dma_start3A_290 : memref<1x200xi32, #tpu.memory_space<vmem>> -> memref<200xi32, #tpu.memory_space<vmem>>
          %dma_start3A_292 = arith.constant 0 : i32
          %dma_start3A_293 = arith.constant 0 : i32
          %dma_start3A_294 = tpu.memref_slice %arg2[%dma_start3A_292, %dma_start3A_293] : memref<108192x64xf32, #tpu.memory_space<hbm>> -> memref<108192x64xf32, #tpu.memory_space<hbm>>
          tpu.enqueue_indirect_dma source(%dma_start3A_294 : memref<108192x64xf32, #tpu.memory_space<hbm>>) target(%dma_start3A_284 : memref<200x64xf32, #tpu.memory_space<vmem>>) offsets(%dma_start3A_291 : memref<200xi32, #tpu.memory_space<vmem>>) semaphore(%run_scoped3A_277 : memref<!tpu.dma_semaphore, #tpu.memory_space<semaphore_mem>>)
          %dma_wait3A_295 = arith.constant 0 : i32
          %dma_wait3A_296 = arith.constant 0 : i32
          %dma_wait3A_297 = tpu.memref_slice %run_scoped3A_8[%rem3A_201, %dma_wait3A_295, %dma_wait3A_296] : memref<2x800x64xf32, #tpu.memory_space<vmem>> -> memref<1x800x64xf32, #tpu.memory_space<vmem>>
          %dma_wait3A_298 = tpu.memref_squeeze %dma_wait3A_297 : memref<1x800x64xf32, #tpu.memory_space<vmem>> -> memref<800x64xf32, #tpu.memory_space<vmem>>
          %dma_wait3A_299 = arith.constant 0 : i32
          %dma_wait3A_300 = arith.constant 0 : i32
          %dma_wait3A_301 = tpu.memref_slice %dma_wait3A_298[%dma_wait3A_299, %dma_wait3A_300] : memref<800x64xf32, #tpu.memory_space<vmem>> -> memref<200x64xf32, #tpu.memory_space<vmem>>
          %dma_wait3A_302 = arith.constant 0 : i32
          %dma_wait3A_303 = arith.constant 0 : i32
          %dma_wait3A_304 = tpu.memref_slice %run_scoped3A[%rem3A_199, %dma_wait3A_302, %dma_wait3A_303] : memref<2x4x200xi32, #tpu.memory_space<vmem>> -> memref<1x4x200xi32, #tpu.memory_space<vmem>>
          %dma_wait3A_305 = tpu.memref_squeeze %dma_wait3A_304 : memref<1x4x200xi32, #tpu.memory_space<vmem>> -> memref<4x200xi32, #tpu.memory_space<vmem>>
          %dma_wait3A_306 = arith.constant 0 : i32
          %dma_wait3A_307 = tpu.memref_slice %dma_wait3A_305[%run_scoped3A_202, %dma_wait3A_306] : memref<4x200xi32, #tpu.memory_space<vmem>> -> memref<1x200xi32, #tpu.memory_space<vmem>>
          %dma_wait3A_308 = tpu.memref_squeeze %dma_wait3A_307 : memref<1x200xi32, #tpu.memory_space<vmem>> -> memref<200xi32, #tpu.memory_space<vmem>>
          %dma_wait3A_309 = arith.constant 0 : i32
          %dma_wait3A_310 = arith.constant 0 : i32
          %dma_wait3A_311 = tpu.memref_slice %arg2[%dma_wait3A_309, %dma_wait3A_310] : memref<108192x64xf32, #tpu.memory_space<hbm>> -> memref<108192x64xf32, #tpu.memory_space<hbm>>
          tpu.wait_indirect_dma semaphore(%run_scoped3A_277 : memref<!tpu.dma_semaphore, #tpu.memory_space<semaphore_mem>>) src(%dma_wait3A_311 : memref<108192x64xf32, #tpu.memory_space<hbm>>) dst(%dma_wait3A_301 : memref<200x64xf32, #tpu.memory_space<vmem>>)
          tpu.yield
        }) : () -> ()
        %run_scoped3A_203 = arith.constant 1 : i32
        "tpu.region"() ({
          %run_scoped3A_277 = tpu.sem_alloc : memref<!tpu.dma_semaphore, #tpu.memory_space<semaphore_mem>>
          %dma_start3A_278 = arith.constant 0 : i32
          %dma_start3A_279 = arith.constant 0 : i32
          %dma_start3A_280 = tpu.memref_slice %run_scoped3A_8[%rem3A_201, %dma_start3A_278, %dma_start3A_279] : memref<2x800x64xf32, #tpu.memory_space<vmem>> -> memref<1x800x64xf32, #tpu.memory_space<vmem>>
          %dma_start3A_281 = tpu.memref_squeeze %dma_start3A_280 : memref<1x800x64xf32, #tpu.memory_space<vmem>> -> memref<800x64xf32, #tpu.memory_space<vmem>>
          %dma_start3A_282 = arith.constant 200 : i32
          %dma_start3A_283 = arith.constant 0 : i32
          %dma_start3A_284 = tpu.memref_slice %dma_start3A_281[%dma_start3A_282, %dma_start3A_283] : memref<800x64xf32, #tpu.memory_space<vmem>> -> memref<200x64xf32, #tpu.memory_space<vmem>>
          %dma_start3A_285 = arith.constant 0 : i32
          %dma_start3A_286 = arith.constant 0 : i32
          %dma_start3A_287 = tpu.memref_slice %run_scoped3A[%rem3A_199, %dma_start3A_285, %dma_start3A_286] : memref<2x4x200xi32, #tpu.memory_space<vmem>> -> memref<1x4x200xi32, #tpu.memory_space<vmem>>
          %dma_start3A_288 = tpu.memref_squeeze %dma_start3A_287 : memref<1x4x200xi32, #tpu.memory_space<vmem>> -> memref<4x200xi32, #tpu.memory_space<vmem>>
          %dma_start3A_289 = arith.constant 0 : i32
          %dma_start3A_290 = tpu.memref_slice %dma_start3A_288[%run_scoped3A_203, %dma_start3A_289] : memref<4x200xi32, #tpu.memory_space<vmem>> -> memref<1x200xi32, #tpu.memory_space<vmem>>
          %dma_start3A_291 = tpu.memref_squeeze %dma_start3A_290 : memref<1x200xi32, #tpu.memory_space<vmem>> -> memref<200xi32, #tpu.memory_space<vmem>>
          %dma_start3A_292 = arith.constant 0 : i32
          %dma_start3A_293 = arith.constant 0 : i32
          %dma_start3A_294 = tpu.memref_slice %arg2[%dma_start3A_292, %dma_start3A_293] : memref<108192x64xf32, #tpu.memory_space<hbm>> -> memref<108192x64xf32, #tpu.memory_space<hbm>>
          tpu.enqueue_indirect_dma source(%dma_start3A_294 : memref<108192x64xf32, #tpu.memory_space<hbm>>) target(%dma_start3A_284 : memref<200x64xf32, #tpu.memory_space<vmem>>) offsets(%dma_start3A_291 : memref<200xi32, #tpu.memory_space<vmem>>) semaphore(%run_scoped3A_277 : memref<!tpu.dma_semaphore, #tpu.memory_space<semaphore_mem>>)
          %dma_wait3A_295 = arith.constant 0 : i32
          %dma_wait3A_296 = arith.constant 0 : i32
          %dma_wait3A_297 = tpu.memref_slice %run_scoped3A_8[%rem3A_201, %dma_wait3A_295, %dma_wait3A_296] : memref<2x800x64xf32, #tpu.memory_space<vmem>> -> memref<1x800x64xf32, #tpu.memory_space<vmem>>
          %dma_wait3A_298 = tpu.memref_squeeze %dma_wait3A_297 : memref<1x800x64xf32, #tpu.memory_space<vmem>> -> memref<800x64xf32, #tpu.memory_space<vmem>>
          %dma_wait3A_299 = arith.constant 200 : i32
          %dma_wait3A_300 = arith.constant 0 : i32
          %dma_wait3A_301 = tpu.memref_slice %dma_wait3A_298[%dma_wait3A_299, %dma_wait3A_300] : memref<800x64xf32, #tpu.memory_space<vmem>> -> memref<200x64xf32, #tpu.memory_space<vmem>>
          %dma_wait3A_302 = arith.constant 0 : i32
          %dma_wait3A_303 = arith.constant 0 : i32
          %dma_wait3A_304 = tpu.memref_slice %run_scoped3A[%rem3A_199, %dma_wait3A_302, %dma_wait3A_303] : memref<2x4x200xi32, #tpu.memory_space<vmem>> -> memref<1x4x200xi32, #tpu.memory_space<vmem>>
          %dma_wait3A_305 = tpu.memref_squeeze %dma_wait3A_304 : memref<1x4x200xi32, #tpu.memory_space<vmem>> -> memref<4x200xi32, #tpu.memory_space<vmem>>
          %dma_wait3A_306 = arith.constant 0 : i32
          %dma_wait3A_307 = tpu.memref_slice %dma_wait3A_305[%run_scoped3A_203, %dma_wait3A_306] : memref<4x200xi32, #tpu.memory_space<vmem>> -> memref<1x200xi32, #tpu.memory_space<vmem>>
          %dma_wait3A_308 = tpu.memref_squeeze %dma_wait3A_307 : memref<1x200xi32, #tpu.memory_space<vmem>> -> memref<200xi32, #tpu.memory_space<vmem>>
          %dma_wait3A_309 = arith.constant 0 : i32
          %dma_wait3A_310 = arith.constant 0 : i32
          %dma_wait3A_311 = tpu.memref_slice %arg2[%dma_wait3A_309, %dma_wait3A_310] : memref<108192x64xf32, #tpu.memory_space<hbm>> -> memref<108192x64xf32, #tpu.memory_space<hbm>>
          tpu.wait_indirect_dma semaphore(%run_scoped3A_277 : memref<!tpu.dma_semaphore, #tpu.memory_space<semaphore_mem>>) src(%dma_wait3A_311 : memref<108192x64xf32, #tpu.memory_space<hbm>>) dst(%dma_wait3A_301 : memref<200x64xf32, #tpu.memory_space<vmem>>)
          tpu.yield
        }) : () -> ()
        %run_scoped3A_204 = arith.constant 2 : i32
        "tpu.region"() ({
          %run_scoped3A_277 = tpu.sem_alloc : memref<!tpu.dma_semaphore, #tpu.memory_space<semaphore_mem>>
          %dma_start3A_278 = arith.constant 0 : i32
          %dma_start3A_279 = arith.constant 0 : i32
          %dma_start3A_280 = tpu.memref_slice %run_scoped3A_8[%rem3A_201, %dma_start3A_278, %dma_start3A_279] : memref<2x800x64xf32, #tpu.memory_space<vmem>> -> memref<1x800x64xf32, #tpu.memory_space<vmem>>
          %dma_start3A_281 = tpu.memref_squeeze %dma_start3A_280 : memref<1x800x64xf32, #tpu.memory_space<vmem>> -> memref<800x64xf32, #tpu.memory_space<vmem>>
          %dma_start3A_282 = arith.constant 400 : i32
          %dma_start3A_283 = arith.constant 0 : i32
          %dma_start3A_284 = tpu.memref_slice %dma_start3A_281[%dma_start3A_282, %dma_start3A_283] : memref<800x64xf32, #tpu.memory_space<vmem>> -> memref<200x64xf32, #tpu.memory_space<vmem>>
          %dma_start3A_285 = arith.constant 0 : i32
          %dma_start3A_286 = arith.constant 0 : i32
          %dma_start3A_287 = tpu.memref_slice %run_scoped3A[%rem3A_199, %dma_start3A_285, %dma_start3A_286] : memref<2x4x200xi32, #tpu.memory_space<vmem>> -> memref<1x4x200xi32, #tpu.memory_space<vmem>>
          %dma_start3A_288 = tpu.memref_squeeze %dma_start3A_287 : memref<1x4x200xi32, #tpu.memory_space<vmem>> -> memref<4x200xi32, #tpu.memory_space<vmem>>
          %dma_start3A_289 = arith.constant 0 : i32
          %dma_start3A_290 = tpu.memref_slice %dma_start3A_288[%run_scoped3A_204, %dma_start3A_289] : memref<4x200xi32, #tpu.memory_space<vmem>> -> memref<1x200xi32, #tpu.memory_space<vmem>>
          %dma_start3A_291 = tpu.memref_squeeze %dma_start3A_290 : memref<1x200xi32, #tpu.memory_space<vmem>> -> memref<200xi32, #tpu.memory_space<vmem>>
          %dma_start3A_292 = arith.constant 0 : i32
          %dma_start3A_293 = arith.constant 0 : i32
          %dma_start3A_294 = tpu.memref_slice %arg2[%dma_start3A_292, %dma_start3A_293] : memref<108192x64xf32, #tpu.memory_space<hbm>> -> memref<108192x64xf32, #tpu.memory_space<hbm>>
          tpu.enqueue_indirect_dma source(%dma_start3A_294 : memref<108192x64xf32, #tpu.memory_space<hbm>>) target(%dma_start3A_284 : memref<200x64xf32, #tpu.memory_space<vmem>>) offsets(%dma_start3A_291 : memref<200xi32, #tpu.memory_space<vmem>>) semaphore(%run_scoped3A_277 : memref<!tpu.dma_semaphore, #tpu.memory_space<semaphore_mem>>)
          %dma_wait3A_295 = arith.constant 0 : i32
          %dma_wait3A_296 = arith.constant 0 : i32
          %dma_wait3A_297 = tpu.memref_slice %run_scoped3A_8[%rem3A_201, %dma_wait3A_295, %dma_wait3A_296] : memref<2x800x64xf32, #tpu.memory_space<vmem>> -> memref<1x800x64xf32, #tpu.memory_space<vmem>>
          %dma_wait3A_298 = tpu.memref_squeeze %dma_wait3A_297 : memref<1x800x64xf32, #tpu.memory_space<vmem>> -> memref<800x64xf32, #tpu.memory_space<vmem>>
          %dma_wait3A_299 = arith.constant 400 : i32
          %dma_wait3A_300 = arith.constant 0 : i32
          %dma_wait3A_301 = tpu.memref_slice %dma_wait3A_298[%dma_wait3A_299, %dma_wait3A_300] : memref<800x64xf32, #tpu.memory_space<vmem>> -> memref<200x64xf32, #tpu.memory_space<vmem>>
          %dma_wait3A_302 = arith.constant 0 : i32
          %dma_wait3A_303 = arith.constant 0 : i32
          %dma_wait3A_304 = tpu.memref_slice %run_scoped3A[%rem3A_199, %dma_wait3A_302, %dma_wait3A_303] : memref<2x4x200xi32, #tpu.memory_space<vmem>> -> memref<1x4x200xi32, #tpu.memory_space<vmem>>
          %dma_wait3A_305 = tpu.memref_squeeze %dma_wait3A_304 : memref<1x4x200xi32, #tpu.memory_space<vmem>> -> memref<4x200xi32, #tpu.memory_space<vmem>>
          %dma_wait3A_306 = arith.constant 0 : i32
          %dma_wait3A_307 = tpu.memref_slice %dma_wait3A_305[%run_scoped3A_204, %dma_wait3A_306] : memref<4x200xi32, #tpu.memory_space<vmem>> -> memref<1x200xi32, #tpu.memory_space<vmem>>
          %dma_wait3A_308 = tpu.memref_squeeze %dma_wait3A_307 : memref<1x200xi32, #tpu.memory_space<vmem>> -> memref<200xi32, #tpu.memory_space<vmem>>
          %dma_wait3A_309 = arith.constant 0 : i32
          %dma_wait3A_310 = arith.constant 0 : i32
          %dma_wait3A_311 = tpu.memref_slice %arg2[%dma_wait3A_309, %dma_wait3A_310] : memref<108192x64xf32, #tpu.memory_space<hbm>> -> memref<108192x64xf32, #tpu.memory_space<hbm>>
          tpu.wait_indirect_dma semaphore(%run_scoped3A_277 : memref<!tpu.dma_semaphore, #tpu.memory_space<semaphore_mem>>) src(%dma_wait3A_311 : memref<108192x64xf32, #tpu.memory_space<hbm>>) dst(%dma_wait3A_301 : memref<200x64xf32, #tpu.memory_space<vmem>>)
          tpu.yield
        }) : () -> ()
        %run_scoped3A_205 = arith.constant 3 : i32
        "tpu.region"() ({
          %run_scoped3A_277 = tpu.sem_alloc : memref<!tpu.dma_semaphore, #tpu.memory_space<semaphore_mem>>
          %dma_start3A_278 = arith.constant 0 : i32
          %dma_start3A_279 = arith.constant 0 : i32
          %dma_start3A_280 = tpu.memref_slice %run_scoped3A_8[%rem3A_201, %dma_start3A_278, %dma_start3A_279] : memref<2x800x64xf32, #tpu.memory_space<vmem>> -> memref<1x800x64xf32, #tpu.memory_space<vmem>>
          %dma_start3A_281 = tpu.memref_squeeze %dma_start3A_280 : memref<1x800x64xf32, #tpu.memory_space<vmem>> -> memref<800x64xf32, #tpu.memory_space<vmem>>
          %dma_start3A_282 = arith.constant 600 : i32
          %dma_start3A_283 = arith.constant 0 : i32
          %dma_start3A_284 = tpu.memref_slice %dma_start3A_281[%dma_start3A_282, %dma_start3A_283] : memref<800x64xf32, #tpu.memory_space<vmem>> -> memref<200x64xf32, #tpu.memory_space<vmem>>
          %dma_start3A_285 = arith.constant 0 : i32
          %dma_start3A_286 = arith.constant 0 : i32
          %dma_start3A_287 = tpu.memref_slice %run_scoped3A[%rem3A_199, %dma_start3A_285, %dma_start3A_286] : memref<2x4x200xi32, #tpu.memory_space<vmem>> -> memref<1x4x200xi32, #tpu.memory_space<vmem>>
          %dma_start3A_288 = tpu.memref_squeeze %dma_start3A_287 : memref<1x4x200xi32, #tpu.memory_space<vmem>> -> memref<4x200xi32, #tpu.memory_space<vmem>>
          %dma_start3A_289 = arith.constant 0 : i32
          %dma_start3A_290 = tpu.memref_slice %dma_start3A_288[%run_scoped3A_205, %dma_start3A_289] : memref<4x200xi32, #tpu.memory_space<vmem>> -> memref<1x200xi32, #tpu.memory_space<vmem>>
          %dma_start3A_291 = tpu.memref_squeeze %dma_start3A_290 : memref<1x200xi32, #tpu.memory_space<vmem>> -> memref<200xi32, #tpu.memory_space<vmem>>
          %dma_start3A_292 = arith.constant 0 : i32
          %dma_start3A_293 = arith.constant 0 : i32
          %dma_start3A_294 = tpu.memref_slice %arg2[%dma_start3A_292, %dma_start3A_293] : memref<108192x64xf32, #tpu.memory_space<hbm>> -> memref<108192x64xf32, #tpu.memory_space<hbm>>
          tpu.enqueue_indirect_dma source(%dma_start3A_294 : memref<108192x64xf32, #tpu.memory_space<hbm>>) target(%dma_start3A_284 : memref<200x64xf32, #tpu.memory_space<vmem>>) offsets(%dma_start3A_291 : memref<200xi32, #tpu.memory_space<vmem>>) semaphore(%run_scoped3A_277 : memref<!tpu.dma_semaphore, #tpu.memory_space<semaphore_mem>>)
          %dma_wait3A_295 = arith.constant 0 : i32
          %dma_wait3A_296 = arith.constant 0 : i32
          %dma_wait3A_297 = tpu.memref_slice %run_scoped3A_8[%rem3A_201, %dma_wait3A_295, %dma_wait3A_296] : memref<2x800x64xf32, #tpu.memory_space<vmem>> -> memref<1x800x64xf32, #tpu.memory_space<vmem>>
          %dma_wait3A_298 = tpu.memref_squeeze %dma_wait3A_297 : memref<1x800x64xf32, #tpu.memory_space<vmem>> -> memref<800x64xf32, #tpu.memory_space<vmem>>
          %dma_wait3A_299 = arith.constant 600 : i32
          %dma_wait3A_300 = arith.constant 0 : i32
          %dma_wait3A_301 = tpu.memref_slice %dma_wait3A_298[%dma_wait3A_299, %dma_wait3A_300] : memref<800x64xf32, #tpu.memory_space<vmem>> -> memref<200x64xf32, #tpu.memory_space<vmem>>
          %dma_wait3A_302 = arith.constant 0 : i32
          %dma_wait3A_303 = arith.constant 0 : i32
          %dma_wait3A_304 = tpu.memref_slice %run_scoped3A[%rem3A_199, %dma_wait3A_302, %dma_wait3A_303] : memref<2x4x200xi32, #tpu.memory_space<vmem>> -> memref<1x4x200xi32, #tpu.memory_space<vmem>>
          %dma_wait3A_305 = tpu.memref_squeeze %dma_wait3A_304 : memref<1x4x200xi32, #tpu.memory_space<vmem>> -> memref<4x200xi32, #tpu.memory_space<vmem>>
          %dma_wait3A_306 = arith.constant 0 : i32
          %dma_wait3A_307 = tpu.memref_slice %dma_wait3A_305[%run_scoped3A_205, %dma_wait3A_306] : memref<4x200xi32, #tpu.memory_space<vmem>> -> memref<1x200xi32, #tpu.memory_space<vmem>>
          %dma_wait3A_308 = tpu.memref_squeeze %dma_wait3A_307 : memref<1x200xi32, #tpu.memory_space<vmem>> -> memref<200xi32, #tpu.memory_space<vmem>>
          %dma_wait3A_309 = arith.constant 0 : i32
          %dma_wait3A_310 = arith.constant 0 : i32
          %dma_wait3A_311 = tpu.memref_slice %arg2[%dma_wait3A_309, %dma_wait3A_310] : memref<108192x64xf32, #tpu.memory_space<hbm>> -> memref<108192x64xf32, #tpu.memory_space<hbm>>
          tpu.wait_indirect_dma semaphore(%run_scoped3A_277 : memref<!tpu.dma_semaphore, #tpu.memory_space<semaphore_mem>>) src(%dma_wait3A_311 : memref<108192x64xf32, #tpu.memory_space<hbm>>) dst(%dma_wait3A_301 : memref<200x64xf32, #tpu.memory_space<vmem>>)
          tpu.yield
        }) : () -> ()
        "tpu.trace_stop"() : () -> ()
        %ne3A_206 = arith.cmpi ne, %add3A_131, %add3A_149 : i32
        %or3A_207 = arith.constant false
        %or3A_208 = arith.ori %or3A_207, %ne3A_206 : i1
        %or3A_209 = arith.constant false
        %or3A_210 = arith.ori %or3A_208, %or3A_209 : i1
        %or3A_211 = arith.ori %or3A_210, %eq3A_130 : i1
        %convert_element_type3A_212 = arith.extui %or3A_211 : i1 to i32
        %cond3A_213 = arith.constant 0 : i32
        %cond3A_214 = arith.cmpi ne, %convert_element_type3A_212, %cond3A_213 : i32
        scf.if %cond3A_214 {
        } else {
        }
        %and3A_215 = arith.constant false
        %and3A_216 = arith.andi %or3A_211, %and3A_215 : i1
        %ne3A_217 = arith.cmpi ne, %add3A_131, %add3A_149 : i32
        %or3A_218 = arith.constant false
        %or3A_219 = arith.ori %or3A_218, %ne3A_217 : i1
        %or3A_220 = arith.constant false
        %or3A_221 = arith.ori %or3A_219, %or3A_220 : i1
        %or3A_222 = arith.ori %or3A_221, %eq3A_130 : i1
        %convert_element_type3A_223 = arith.extui %or3A_222 : i1 to i32
        %cond3A_224 = arith.constant 0 : i32
        %cond3A_225 = arith.cmpi ne, %convert_element_type3A_223, %cond3A_224 : i32
        scf.if %cond3A_225 {
          "tpu.trace_start"() <{level = 10 : i32, message = "ep_copy_out"}> : () -> ()
          %rem3A_277 = arith.constant 2 : i32
          %rem3A_278 = arith.remui %scan3A_124, %rem3A_277 : i32
          %mul3A_279 = arith.constant 800 : i32
          %mul3A_280 = arith.muli %mul3A_279, %add3A_131 : i32
          %dma_start3A_281 = arith.constant 0 : i32
          %dma_start3A_282 = arith.constant 0 : i32
          %dma_start3A_283 = tpu.memref_slice %run_scoped3A_8[%rem3A_278, %dma_start3A_281, %dma_start3A_282] : memref<2x800x64xf32, #tpu.memory_space<vmem>> -> memref<1x800x64xf32, #tpu.memory_space<vmem>>
          %dma_start3A_284 = tpu.memref_squeeze %dma_start3A_283 : memref<1x800x64xf32, #tpu.memory_space<vmem>> -> memref<800x64xf32, #tpu.memory_space<vmem>>
          %dma_start3A_285 = arith.constant 0 : i32
          %dma_start3A_286 = tpu.memref_slice %arg4[%mul3A_280, %dma_start3A_285] : memref<204800x64xf32, #tpu.memory_space<hbm>> -> memref<800x64xf32, #tpu.memory_space<hbm>>
          %dma_start3A_287 = tpu.memref_slice %run_scoped3A_9[%rem3A_278] : memref<2x!tpu.dma_semaphore, #tpu.memory_space<semaphore_mem>> -> memref<1x!tpu.dma_semaphore, #tpu.memory_space<semaphore_mem>>
          %dma_start3A_288 = tpu.memref_squeeze %dma_start3A_287 : memref<1x!tpu.dma_semaphore, #tpu.memory_space<semaphore_mem>> -> memref<!tpu.dma_semaphore, #tpu.memory_space<semaphore_mem>>
          %dma_start3A_289 = arith.constant 0 : i32
          %dma_start3A_290 = tpu.memref_slice %arg4[%mul3A_280, %dma_start3A_289] : memref<204800x64xf32, #tpu.memory_space<hbm>> -> memref<800x64xf32, #tpu.memory_space<hbm>>
          %dma_start3A_291 = arith.constant 0 : i32
          %dma_start3A_292 = arith.constant 0 : i32
          %dma_start3A_293 = tpu.memref_slice %run_scoped3A_8[%rem3A_278, %dma_start3A_291, %dma_start3A_292] : memref<2x800x64xf32, #tpu.memory_space<vmem>> -> memref<1x800x64xf32, #tpu.memory_space<vmem>>
          %dma_start3A_294 = tpu.memref_squeeze %dma_start3A_293 : memref<1x800x64xf32, #tpu.memory_space<vmem>> -> memref<800x64xf32, #tpu.memory_space<vmem>>
          tpu.enqueue_dma source(%dma_start3A_294 : memref<800x64xf32, #tpu.memory_space<vmem>>) target(%dma_start3A_290 : memref<800x64xf32, #tpu.memory_space<hbm>>) target_semaphore(%dma_start3A_288 : memref<!tpu.dma_semaphore, #tpu.memory_space<semaphore_mem>>)
          "tpu.trace_stop"() : () -> ()
        } else {
        }
        %and3A_226 = arith.constant true
        %and3A_227 = arith.andi %or3A_222, %and3A_226 : i1
        %add3A_228 = arith.constant 1 : i32
        %add3A_229 = arith.addi %scan3A_124, %add3A_228 : i32
        %select_n3A_230 = arith.select %and3A_227, %add3A_229, %scan3A_124 : i32
        %ne3A_231 = arith.cmpi ne, %add3A_131, %add3A_140 : i32
        %or3A_232 = arith.constant false
        %or3A_233 = arith.ori %or3A_232, %ne3A_231 : i1
        %or3A_234 = arith.constant false
        %or3A_235 = arith.ori %or3A_233, %or3A_234 : i1
        %not3A_236 = arith.constant true
        %not3A_237 = arith.xori %eq3A_128, %not3A_236 : i1
        %and3A_238 = arith.andi %or3A_235, %not3A_237 : i1
        %convert_element_type3A_239 = arith.extui %and3A_238 : i1 to i32
        %cond3A_240 = arith.constant 0 : i32
        %cond3A_241 = arith.cmpi ne, %convert_element_type3A_239, %cond3A_240 : i32
        scf.if %cond3A_241 {
        } else {
        }
        %and3A_242 = arith.constant false
        %and3A_243 = arith.andi %and3A_238, %and3A_242 : i1
        %ne3A_244 = arith.cmpi ne, %add3A_131, %add3A_140 : i32
        %or3A_245 = arith.constant false
        %or3A_246 = arith.ori %or3A_245, %ne3A_244 : i1
        %or3A_247 = arith.constant false
        %or3A_248 = arith.ori %or3A_246, %or3A_247 : i1
        %not3A_249 = arith.constant true
        %not3A_250 = arith.xori %eq3A_128, %not3A_249 : i1
        %and3A_251 = arith.andi %or3A_248, %not3A_250 : i1
        %convert_element_type3A_252 = arith.extui %and3A_251 : i1 to i32
        %cond3A_253 = arith.constant 0 : i32
        %cond3A_254 = arith.cmpi ne, %convert_element_type3A_252, %cond3A_253 : i32
        scf.if %cond3A_254 {
          "tpu.trace_start"() <{level = 10 : i32, message = "ep_wait_out"}> : () -> ()
          %rem3A_277 = arith.constant 2 : i32
          %rem3A_278 = arith.remui %scan3A_125, %rem3A_277 : i32
          %mul3A_279 = arith.constant 800 : i32
          %mul3A_280 = arith.muli %mul3A_279, %add3A_140 : i32
          %dma_wait3A_281 = arith.constant 0 : i32
          %dma_wait3A_282 = arith.constant 0 : i32
          %dma_wait3A_283 = tpu.memref_slice %run_scoped3A_8[%rem3A_278, %dma_wait3A_281, %dma_wait3A_282] : memref<2x800x64xf32, #tpu.memory_space<vmem>> -> memref<1x800x64xf32, #tpu.memory_space<vmem>>
          %dma_wait3A_284 = tpu.memref_squeeze %dma_wait3A_283 : memref<1x800x64xf32, #tpu.memory_space<vmem>> -> memref<800x64xf32, #tpu.memory_space<vmem>>
          %dma_wait3A_285 = arith.constant 0 : i32
          %dma_wait3A_286 = tpu.memref_slice %arg4[%mul3A_280, %dma_wait3A_285] : memref<204800x64xf32, #tpu.memory_space<hbm>> -> memref<800x64xf32, #tpu.memory_space<hbm>>
          %dma_wait3A_287 = tpu.memref_slice %run_scoped3A_9[%rem3A_278] : memref<2x!tpu.dma_semaphore, #tpu.memory_space<semaphore_mem>> -> memref<1x!tpu.dma_semaphore, #tpu.memory_space<semaphore_mem>>
          %dma_wait3A_288 = tpu.memref_squeeze %dma_wait3A_287 : memref<1x!tpu.dma_semaphore, #tpu.memory_space<semaphore_mem>> -> memref<!tpu.dma_semaphore, #tpu.memory_space<semaphore_mem>>
          %dma_wait3A_289 = arith.constant 0 : i32
          %dma_wait3A_290 = tpu.memref_slice %arg4[%mul3A_280, %dma_wait3A_289] : memref<204800x64xf32, #tpu.memory_space<hbm>> -> memref<800x64xf32, #tpu.memory_space<hbm>>
          %dma_wait3A_291 = arith.constant 0 : i32
          %dma_wait3A_292 = arith.constant 0 : i32
          %dma_wait3A_293 = tpu.memref_slice %run_scoped3A_8[%rem3A_278, %dma_wait3A_291, %dma_wait3A_292] : memref<2x800x64xf32, #tpu.memory_space<vmem>> -> memref<1x800x64xf32, #tpu.memory_space<vmem>>
          %dma_wait3A_294 = tpu.memref_squeeze %dma_wait3A_293 : memref<1x800x64xf32, #tpu.memory_space<vmem>> -> memref<800x64xf32, #tpu.memory_space<vmem>>
          tpu.wait_dma2 semaphore(%dma_wait3A_288 : memref<!tpu.dma_semaphore, #tpu.memory_space<semaphore_mem>>) src(%dma_wait3A_294 : memref<800x64xf32, #tpu.memory_space<vmem>>) dst(%dma_wait3A_290 : memref<800x64xf32, #tpu.memory_space<hbm>>)
          "tpu.trace_stop"() : () -> ()
        } else {
        }
        %and3A_255 = arith.constant true
        %and3A_256 = arith.andi %and3A_251, %and3A_255 : i1
        %add3A_257 = arith.constant 1 : i32
        %add3A_258 = arith.addi %scan3A_125, %add3A_257 : i32
        %select_n3A_259 = arith.select %and3A_256, %add3A_258, %scan3A_125 : i32
        %ne3A_260 = arith.cmpi ne, %add3A_131, %add3A_149 : i32
        %or3A_261 = arith.constant false
        %or3A_262 = arith.ori %or3A_261, %ne3A_260 : i1
        %or3A_263 = arith.constant false
        %or3A_264 = arith.ori %or3A_262, %or3A_263 : i1
        %or3A_265 = arith.ori %or3A_264, %eq3A_130 : i1
        %add3A_266 = arith.constant 1 : i32
        %add3A_267 = arith.addi %scan3A_123, %add3A_266 : i32
        %select_n3A_268 = arith.select %or3A_265, %add3A_267, %scan3A_123 : i32
        %add3A_269 = arith.constant 1 : i32
        %add3A_270 = arith.addi %scan3A_126, %add3A_269 : i32
        %select_n3A_271 = arith.constant true
        %select_n3A_272 = arith.select %select_n3A_271, %add3A_270, %scan3A_126 : i32
        %eq3A_273 = arith.constant 8 : i32
        %eq3A_274 = arith.cmpi eq, %select_n3A_272, %eq3A_273 : i32
        %select_n3A_275 = arith.constant 0 : i32
        %select_n3A_276 = arith.select %eq3A_274, %select_n3A_275, %select_n3A_272 : i32
        scf.yield %select_n3A_169, %select_n3A_268, %select_n3A_230, %select_n3A_259, %select_n3A_276 : i32, i32, i32, i32, i32
      }
      %scan3A_68 = arith.constant 8 : i32
      %sub3A = arith.constant 1 : i32
      %sub3A_69 = arith.subi %scan3A_67#4, %sub3A : i32
      %select_n3A_70 = arith.constant true
      %select_n3A_71 = arith.select %select_n3A_70, %sub3A_69, %scan3A_67#4 : i32
      %eq3A_72 = arith.constant -1 : i32
      %eq3A_73 = arith.cmpi eq, %select_n3A_71, %eq3A_72 : i32
      %select_n3A_74 = arith.constant 7 : i32
      %select_n3A_75 = arith.select %eq3A_73, %select_n3A_74, %select_n3A_71 : i32
      %add3A_76 = arith.addi %select_n3A_75, %mul3A_6 : i32
      %sub3A_77 = arith.constant 1 : i32
      %sub3A_78 = arith.subi %select_n3A_75, %sub3A_77 : i32
      %select_n3A_79 = arith.constant true
      %select_n3A_80 = arith.select %select_n3A_79, %sub3A_78, %select_n3A_75 : i32
      %eq3A_81 = arith.constant -1 : i32
      %eq3A_82 = arith.cmpi eq, %select_n3A_80, %eq3A_81 : i32
      %select_n3A_83 = arith.constant 7 : i32
      %select_n3A_84 = arith.select %eq3A_82, %select_n3A_83, %select_n3A_80 : i32
      %add3A_85 = arith.addi %select_n3A_84, %mul3A_6 : i32
      %add3A_86 = arith.constant 1 : i32
      %add3A_87 = arith.addi %select_n3A_75, %add3A_86 : i32
      %select_n3A_88 = arith.constant true
      %select_n3A_89 = arith.select %select_n3A_88, %add3A_87, %select_n3A_75 : i32
      %eq3A_90 = arith.constant 8 : i32
      %eq3A_91 = arith.cmpi eq, %select_n3A_89, %eq3A_90 : i32
      %select_n3A_92 = arith.constant 0 : i32
      %select_n3A_93 = arith.select %eq3A_91, %select_n3A_92, %select_n3A_89 : i32
      %add3A_94 = arith.addi %select_n3A_93, %mul3A_6 : i32
      %add3A_95 = arith.constant 1 : i32
      %add3A_96 = arith.addi %select_n3A_93, %add3A_95 : i32
      %select_n3A_97 = arith.constant true
      %select_n3A_98 = arith.select %select_n3A_97, %add3A_96, %select_n3A_93 : i32
      %eq3A_99 = arith.constant 8 : i32
      %eq3A_100 = arith.cmpi eq, %select_n3A_98, %eq3A_99 : i32
      %select_n3A_101 = arith.constant 0 : i32
      %select_n3A_102 = arith.select %eq3A_100, %select_n3A_101, %select_n3A_98 : i32
      %add3A_103 = arith.addi %select_n3A_102, %mul3A_6 : i32
      "tpu.trace_start"() <{level = 10 : i32, message = "ep_finalize"}> : () -> ()
      %rem3A_104 = arith.constant 2 : i32
      %rem3A_105 = arith.remui %scan3A_67#3, %rem3A_104 : i32
      %mul3A_106 = arith.constant 800 : i32
      %mul3A_107 = arith.muli %mul3A_106, %add3A_76 : i32
      %dma_wait3A = arith.constant 0 : i32
      %dma_wait3A_108 = arith.constant 0 : i32
      %dma_wait3A_109 = tpu.memref_slice %run_scoped3A_8[%rem3A_105, %dma_wait3A, %dma_wait3A_108] : memref<2x800x64xf32, #tpu.memory_space<vmem>> -> memref<1x800x64xf32, #tpu.memory_space<vmem>>
      %dma_wait3A_110 = tpu.memref_squeeze %dma_wait3A_109 : memref<1x800x64xf32, #tpu.memory_space<vmem>> -> memref<800x64xf32, #tpu.memory_space<vmem>>
      %dma_wait3A_111 = arith.constant 0 : i32
      %dma_wait3A_112 = tpu.memref_slice %arg4[%mul3A_107, %dma_wait3A_111] : memref<204800x64xf32, #tpu.memory_space<hbm>> -> memref<800x64xf32, #tpu.memory_space<hbm>>
      %dma_wait3A_113 = tpu.memref_slice %run_scoped3A_9[%rem3A_105] : memref<2x!tpu.dma_semaphore, #tpu.memory_space<semaphore_mem>> -> memref<1x!tpu.dma_semaphore, #tpu.memory_space<semaphore_mem>>
      %dma_wait3A_114 = tpu.memref_squeeze %dma_wait3A_113 : memref<1x!tpu.dma_semaphore, #tpu.memory_space<semaphore_mem>> -> memref<!tpu.dma_semaphore, #tpu.memory_space<semaphore_mem>>
      %dma_wait3A_115 = arith.constant 0 : i32
      %dma_wait3A_116 = tpu.memref_slice %arg4[%mul3A_107, %dma_wait3A_115] : memref<204800x64xf32, #tpu.memory_space<hbm>> -> memref<800x64xf32, #tpu.memory_space<hbm>>
      %dma_wait3A_117 = arith.constant 0 : i32
      %dma_wait3A_118 = arith.constant 0 : i32
      %dma_wait3A_119 = tpu.memref_slice %run_scoped3A_8[%rem3A_105, %dma_wait3A_117, %dma_wait3A_118] : memref<2x800x64xf32, #tpu.memory_space<vmem>> -> memref<1x800x64xf32, #tpu.memory_space<vmem>>
      %dma_wait3A_120 = tpu.memref_squeeze %dma_wait3A_119 : memref<1x800x64xf32, #tpu.memory_space<vmem>> -> memref<800x64xf32, #tpu.memory_space<vmem>>
      tpu.wait_dma2 semaphore(%dma_wait3A_114 : memref<!tpu.dma_semaphore, #tpu.memory_space<semaphore_mem>>) src(%dma_wait3A_120 : memref<800x64xf32, #tpu.memory_space<vmem>>) dst(%dma_wait3A_116 : memref<800x64xf32, #tpu.memory_space<hbm>>)
      "tpu.trace_stop"() : () -> ()
      tpu.yield
    }) : () -> ()
    return
  }
}

module attributes {stable_mosaic.version = 14 : i64} {
  func.func @_tc_body(%arg0: i32, %arg1: memref<12800x128xf32, #tpu.memory_space<vmem>>, %arg2: memref<100x128xf32, #tpu.memory_space<vmem>>, %arg3: memref<1x128xf32, #tpu.memory_space<vmem>>, %arg4: memref<1x128xf32, #tpu.memory_space<vmem>>, %arg5: memref<12800x128xf32, #tpu.memory_space<vmem>>) attributes {dimension_semantics = [#tpu.dimension_semantics<parallel>], iteration_bounds = array<i64: 8>, scalar_prefetch = 0 : i64, scratch_operands = 0 : i64, tpu.core_type = #tpu.core_type<tc>, window_params = [{transform_indices = @transform_0, window_bounds = array<i64: 12800, 128>}, {pipeline_mode = #tpu.pipeline_mode<synchronous>, transform_indices = @transform_1, window_bounds = array<i64: 100, 128>}, {pipeline_mode = #tpu.pipeline_mode<synchronous>, transform_indices = @transform_2, window_bounds = array<i64: 1, 128>}, {pipeline_mode = #tpu.pipeline_mode<synchronous>, transform_indices = @transform_3, window_bounds = array<i64: 1, 128>}, {transform_indices = @transform_4, window_bounds = array<i64: 12800, 128>}]} {
    %get3A = arith.constant 0 : index
    %get3A_0 = arith.constant 0 : index
    %get3A_1 = vector.load %arg1[%get3A, %get3A_0] : memref<12800x128xf32, #tpu.memory_space<vmem>>, vector<12800x128xf32>
    %get3A_2 = arith.constant 0 : index
    %get3A_3 = arith.constant 0 : index
    %get3A_4 = vector.load %arg2[%get3A_2, %get3A_3] : memref<100x128xf32, #tpu.memory_space<vmem>>, vector<100x128xf32>
    %tile3A = tpu.concatenate %get3A_4, %get3A_4, %get3A_4, %get3A_4, %get3A_4, %get3A_4, %get3A_4, %get3A_4, %get3A_4, %get3A_4, %get3A_4, %get3A_4, %get3A_4, %get3A_4, %get3A_4, %get3A_4, %get3A_4, %get3A_4, %get3A_4, %get3A_4, %get3A_4, %get3A_4, %get3A_4, %get3A_4, %get3A_4, %get3A_4, %get3A_4, %get3A_4, %get3A_4, %get3A_4, %get3A_4, %get3A_4, %get3A_4, %get3A_4, %get3A_4, %get3A_4, %get3A_4, %get3A_4, %get3A_4, %get3A_4, %get3A_4, %get3A_4, %get3A_4, %get3A_4, %get3A_4, %get3A_4, %get3A_4, %get3A_4, %get3A_4, %get3A_4, %get3A_4, %get3A_4, %get3A_4, %get3A_4, %get3A_4, %get3A_4, %get3A_4, %get3A_4, %get3A_4, %get3A_4, %get3A_4, %get3A_4, %get3A_4, %get3A_4, %get3A_4, %get3A_4, %get3A_4, %get3A_4, %get3A_4, %get3A_4, %get3A_4, %get3A_4, %get3A_4, %get3A_4, %get3A_4, %get3A_4, %get3A_4, %get3A_4, %get3A_4, %get3A_4, %get3A_4, %get3A_4, %get3A_4, %get3A_4, %get3A_4, %get3A_4, %get3A_4, %get3A_4, %get3A_4, %get3A_4, %get3A_4, %get3A_4, %get3A_4, %get3A_4, %get3A_4, %get3A_4, %get3A_4, %get3A_4, %get3A_4, %get3A_4, %get3A_4, %get3A_4, %get3A_4, %get3A_4, %get3A_4, %get3A_4, %get3A_4, %get3A_4, %get3A_4, %get3A_4, %get3A_4, %get3A_4, %get3A_4, %get3A_4, %get3A_4, %get3A_4, %get3A_4, %get3A_4, %get3A_4, %get3A_4, %get3A_4, %get3A_4, %get3A_4, %get3A_4, %get3A_4, %get3A_4, %get3A_4, %get3A_4 in 0 : vector<100x128xf32>, vector<100x128xf32>, vector<100x128xf32>, vector<100x128xf32>, vector<100x128xf32>, vector<100x128xf32>, vector<100x128xf32>, vector<100x128xf32>, vector<100x128xf32>, vector<100x128xf32>, vector<100x128xf32>, vector<100x128xf32>, vector<100x128xf32>, vector<100x128xf32>, vector<100x128xf32>, vector<100x128xf32>, vector<100x128xf32>, vector<100x128xf32>, vector<100x128xf32>, vector<100x128xf32>, vector<100x128xf32>, vector<100x128xf32>, vector<100x128xf32>, vector<100x128xf32>, vector<100x128xf32>, vector<100x128xf32>, vector<100x128xf32>, vector<100x128xf32>, vector<100x128xf32>, vector<100x128xf32>, vector<100x128xf32>, vector<100x128xf32>, vector<100x128xf32>, vector<100x128xf32>, vector<100x128xf32>, vector<100x128xf32>, vector<100x128xf32>, vector<100x128xf32>, vector<100x128xf32>, vector<100x128xf32>, vector<100x128xf32>, vector<100x128xf32>, vector<100x128xf32>, vector<100x128xf32>, vector<100x128xf32>, vector<100x128xf32>, vector<100x128xf32>, vector<100x128xf32>, vector<100x128xf32>, vector<100x128xf32>, vector<100x128xf32>, vector<100x128xf32>, vector<100x128xf32>, vector<100x128xf32>, vector<100x128xf32>, vector<100x128xf32>, vector<100x128xf32>, vector<100x128xf32>, vector<100x128xf32>, vector<100x128xf32>, vector<100x128xf32>, vector<100x128xf32>, vector<100x128xf32>, vector<100x128xf32>, vector<100x128xf32>, vector<100x128xf32>, vector<100x128xf32>, vector<100x128xf32>, vector<100x128xf32>, vector<100x128xf32>, vector<100x128xf32>, vector<100x128xf32>, vector<100x128xf32>, vector<100x128xf32>, vector<100x128xf32>, vector<100x128xf32>, vector<100x128xf32>, vector<100x128xf32>, vector<100x128xf32>, vector<100x128xf32>, vector<100x128xf32>, vector<100x128xf32>, vector<100x128xf32>, vector<100x128xf32>, vector<100x128xf32>, vector<100x128xf32>, vector<100x128xf32>, vector<100x128xf32>, vector<100x128xf32>, vector<100x128xf32>, vector<100x128xf32>, vector<100x128xf32>, vector<100x128xf32>, vector<100x128xf32>, vector<100x128xf32>, vector<100x128xf32>, vector<100x128xf32>, vector<100x128xf32>, vector<100x128xf32>, vector<100x128xf32>, vector<100x128xf32>, vector<100x128xf32>, vector<100x128xf32>, vector<100x128xf32>, vector<100x128xf32>, vector<100x128xf32>, vector<100x128xf32>, vector<100x128xf32>, vector<100x128xf32>, vector<100x128xf32>, vector<100x128xf32>, vector<100x128xf32>, vector<100x128xf32>, vector<100x128xf32>, vector<100x128xf32>, vector<100x128xf32>, vector<100x128xf32>, vector<100x128xf32>, vector<100x128xf32>, vector<100x128xf32>, vector<100x128xf32>, vector<100x128xf32>, vector<100x128xf32>, vector<100x128xf32>, vector<100x128xf32>, vector<100x128xf32>, vector<100x128xf32>, vector<100x128xf32> -> vector<12800x128xf32>
    %add3A = arith.addf %get3A_1, %tile3A : vector<12800x128xf32>
    %iota3A = tpu.iota {dimensions = array<i32: 0>} : vector<128x128xi32>
    %jit3A = arith.constant 64 : i32
    %div3A = vector.broadcast %jit3A : i32 to vector<128x128xi32>
    %div3A_5 = arith.divsi %iota3A, %div3A : vector<128x128xi32>
    %sign3A = arith.constant 0 : i32
    %sign3A_6 = vector.broadcast %sign3A : i32 to vector<128x128xi32>
    %sign3A_7 = arith.cmpi sgt, %iota3A, %sign3A_6 : vector<128x128xi32>
    %sign3A_8 = arith.extui %sign3A_7 : vector<128x128xi1> to vector<128x128xi32>
    %sign3A_9 = arith.constant 0 : i32
    %sign3A_10 = vector.broadcast %sign3A_9 : i32 to vector<128x128xi32>
    %sign3A_11 = arith.cmpi slt, %iota3A, %sign3A_10 : vector<128x128xi32>
    %sign3A_12 = arith.extui %sign3A_11 : vector<128x128xi1> to vector<128x128xi32>
    %sign3A_13 = arith.subi %sign3A_8, %sign3A_12 : vector<128x128xi32>
    %sign3A_14 = arith.constant 0 : i32
    %sign3A_15 = arith.cmpi sgt, %jit3A, %sign3A_14 : i32
    %sign3A_16 = arith.extui %sign3A_15 : i1 to i32
    %sign3A_17 = arith.constant 0 : i32
    %sign3A_18 = arith.cmpi slt, %jit3A, %sign3A_17 : i32
    %sign3A_19 = arith.extui %sign3A_18 : i1 to i32
    %sign3A_20 = arith.subi %sign3A_16, %sign3A_19 : i32
    %ne3A = vector.broadcast %sign3A_20 : i32 to vector<128x128xi32>
    %ne3A_21 = arith.cmpi ne, %sign3A_13, %ne3A : vector<128x128xi32>
    %rem3A = vector.broadcast %jit3A : i32 to vector<128x128xi32>
    %rem3A_22 = arith.remsi %iota3A, %rem3A : vector<128x128xi32>
    %ne3A_23 = arith.constant 0 : i32
    %ne3A_24 = vector.broadcast %ne3A_23 : i32 to vector<128x128xi32>
    %ne3A_25 = arith.cmpi ne, %rem3A_22, %ne3A_24 : vector<128x128xi32>
    %and3A = arith.andi %ne3A_21, %ne3A_25 : vector<128x128xi1>
    %sub3A = arith.constant 1 : i32
    %sub3A_26 = vector.broadcast %sub3A : i32 to vector<128x128xi32>
    %sub3A_27 = arith.subi %div3A_5, %sub3A_26 : vector<128x128xi32>
    %select_n3A = arith.select %and3A, %sub3A_27, %div3A_5 : vector<128x128xi1>, vector<128x128xi32>
    %iota3A_28 = tpu.iota {dimensions = array<i32: 1>} : vector<128x128xi32>
    %jit3A_29 = arith.constant 64 : i32
    %div3A_30 = vector.broadcast %jit3A_29 : i32 to vector<128x128xi32>
    %div3A_31 = arith.divsi %iota3A_28, %div3A_30 : vector<128x128xi32>
    %sign3A_32 = arith.constant 0 : i32
    %sign3A_33 = vector.broadcast %sign3A_32 : i32 to vector<128x128xi32>
    %sign3A_34 = arith.cmpi sgt, %iota3A_28, %sign3A_33 : vector<128x128xi32>
    %sign3A_35 = arith.extui %sign3A_34 : vector<128x128xi1> to vector<128x128xi32>
    %sign3A_36 = arith.constant 0 : i32
    %sign3A_37 = vector.broadcast %sign3A_36 : i32 to vector<128x128xi32>
    %sign3A_38 = arith.cmpi slt, %iota3A_28, %sign3A_37 : vector<128x128xi32>
    %sign3A_39 = arith.extui %sign3A_38 : vector<128x128xi1> to vector<128x128xi32>
    %sign3A_40 = arith.subi %sign3A_35, %sign3A_39 : vector<128x128xi32>
    %sign3A_41 = arith.constant 0 : i32
    %sign3A_42 = arith.cmpi sgt, %jit3A_29, %sign3A_41 : i32
    %sign3A_43 = arith.extui %sign3A_42 : i1 to i32
    %sign3A_44 = arith.constant 0 : i32
    %sign3A_45 = arith.cmpi slt, %jit3A_29, %sign3A_44 : i32
    %sign3A_46 = arith.extui %sign3A_45 : i1 to i32
    %sign3A_47 = arith.subi %sign3A_43, %sign3A_46 : i32
    %ne3A_48 = vector.broadcast %sign3A_47 : i32 to vector<128x128xi32>
    %ne3A_49 = arith.cmpi ne, %sign3A_40, %ne3A_48 : vector<128x128xi32>
    %rem3A_50 = vector.broadcast %jit3A_29 : i32 to vector<128x128xi32>
    %rem3A_51 = arith.remsi %iota3A_28, %rem3A_50 : vector<128x128xi32>
    %ne3A_52 = arith.constant 0 : i32
    %ne3A_53 = vector.broadcast %ne3A_52 : i32 to vector<128x128xi32>
    %ne3A_54 = arith.cmpi ne, %rem3A_51, %ne3A_53 : vector<128x128xi32>
    %and3A_55 = arith.andi %ne3A_49, %ne3A_54 : vector<128x128xi1>
    %sub3A_56 = arith.constant 1 : i32
    %sub3A_57 = vector.broadcast %sub3A_56 : i32 to vector<128x128xi32>
    %sub3A_58 = arith.subi %div3A_31, %sub3A_57 : vector<128x128xi32>
    %select_n3A_59 = arith.select %and3A_55, %sub3A_58, %div3A_31 : vector<128x128xi1>, vector<128x128xi32>
    %eq3A = arith.cmpi eq, %select_n3A, %select_n3A_59 : vector<128x128xi32>
    %jit3A_60 = arith.constant 1.562500e-02 : f32
    %jit3A_61 = arith.constant 0.000000e+00 : f32
    %broadcast_in_dim3A = vector.broadcast %jit3A_60 : f32 to vector<128x128xf32>
    %broadcast_in_dim3A_62 = vector.broadcast %jit3A_61 : f32 to vector<128x128xf32>
    %select_n3A_63 = arith.select %eq3A, %broadcast_in_dim3A, %broadcast_in_dim3A_62 : vector<128x128xi1>, vector<128x128xf32>
    %dot_general3A = arith.constant dense<0.000000e+00> : vector<12800x128xf32>
    %dot_general3A_64 = tpu.matmul %add3A, %select_n3A_63, %dot_general3A {dimension_numbers = #tpu.dot_dimension_numbers<[1], [0], [0], [1], [0, 0, 1, 1], [], []>, transpose_lhs_hint = false} : vector<12800x128xf32>, vector<128x128xf32>, vector<12800x128xf32> -> vector<12800x128xf32>
    %mul3A = arith.mulf %add3A, %add3A : vector<12800x128xf32>
    %dot_general3A_65 = arith.constant dense<0.000000e+00> : vector<12800x128xf32>
    %dot_general3A_66 = tpu.matmul %mul3A, %select_n3A_63, %dot_general3A_65 {dimension_numbers = #tpu.dot_dimension_numbers<[1], [0], [0], [1], [0, 0, 1, 1], [], []>, transpose_lhs_hint = false} : vector<12800x128xf32>, vector<128x128xf32>, vector<12800x128xf32> -> vector<12800x128xf32>
    %mul3A_67 = arith.mulf %dot_general3A_64, %dot_general3A_64 : vector<12800x128xf32>
    %sub3A_68 = arith.subf %dot_general3A_66, %mul3A_67 : vector<12800x128xf32>
    %sub3A_69 = arith.subf %add3A, %dot_general3A_64 : vector<12800x128xf32>
    %add3A_70 = arith.constant 9.99999974E-6 : f32
    %add3A_71 = vector.broadcast %add3A_70 : f32 to vector<12800x128xf32>
    %add3A_72 = arith.addf %sub3A_68, %add3A_71 : vector<12800x128xf32>
    %rsqrt3A = math.rsqrt %add3A_72 : vector<12800x128xf32>
    %mul3A_73 = arith.mulf %sub3A_69, %rsqrt3A : vector<12800x128xf32>
    %get3A_74 = arith.constant 0 : index
    %get3A_75 = arith.constant 0 : index
    %get3A_76 = vector.load %arg3[%get3A_74, %get3A_75] : memref<1x128xf32, #tpu.memory_space<vmem>>, vector<1x128xf32>
    %mul3A_77 = vector.broadcast %get3A_76 : vector<1x128xf32> to vector<12800x128xf32>
    %mul3A_78 = arith.mulf %mul3A_73, %mul3A_77 : vector<12800x128xf32>
    %get3A_79 = arith.constant 0 : index
    %get3A_80 = arith.constant 0 : index
    %get3A_81 = vector.load %arg4[%get3A_79, %get3A_80] : memref<1x128xf32, #tpu.memory_space<vmem>>, vector<1x128xf32>
    %add3A_82 = vector.broadcast %get3A_81 : vector<1x128xf32> to vector<12800x128xf32>
    %add3A_83 = arith.addf %mul3A_78, %add3A_82 : vector<12800x128xf32>
    %swap3A = arith.constant 0 : index
    %swap3A_84 = arith.constant 0 : index
    %swap3A_85 = vector.load %arg5[%swap3A, %swap3A_84] : memref<12800x128xf32, #tpu.memory_space<vmem>>, vector<12800x128xf32>
    tpu.vector_store %arg5[%swap3A, %swap3A_84], %add3A_83 {strides = array<i32>} : memref<12800x128xf32, #tpu.memory_space<vmem>>, vector<12800x128xf32>,
    return
  }
  func.func @transform_0(%arg0: i32) -> (i32, i32) {
    %c0_i32 = arith.constant 0 : i32
    %c0_i32_0 = arith.constant 0 : i32
    return %arg0, %c0_i32 : i32, i32
  }
  func.func @transform_1(%arg0: i32) -> (i32, i32) {
    %c0_i32 = arith.constant 0 : i32
    %c0_i32_0 = arith.constant 0 : i32
    %c0_i32_1 = arith.constant 0 : i32
    return %c0_i32, %c0_i32_0 : i32, i32
  }
  func.func @transform_2(%arg0: i32) -> (i32, i32) {
    %c0_i32 = arith.constant 0 : i32
    %c0_i32_0 = arith.constant 0 : i32
    %c0_i32_1 = arith.constant 0 : i32
    return %c0_i32, %c0_i32_0 : i32, i32
  }
  func.func @transform_3(%arg0: i32) -> (i32, i32) {
    %c0_i32 = arith.constant 0 : i32
    %c0_i32_0 = arith.constant 0 : i32
    %c0_i32_1 = arith.constant 0 : i32
    return %c0_i32, %c0_i32_0 : i32, i32
  }
  func.func @transform_4(%arg0: i32) -> (i32, i32) {
    %c0_i32 = arith.constant 0 : i32
    %c0_i32_0 = arith.constant 0 : i32
    return %arg0, %c0_i32 : i32, i32
  }
}

</mosaic_0001>

<sc_bundles>
// kernel: kernel.4.cloned.1.call-start
scs
__scs_entry_jumppad:
0x0: {  	(pc) =	sbr.rel $0x88, $3  }
0x1: {  	(tag) =	ssettag $0x0;
	lr =	simm.s32 $0x1  }
0x2: {  	[smem:$0x3F9A] =	sst lr;
	_ =	strace $0xD0000000  }
0x3: {  	_ = 	snop  }
0x4: {  	_ = 	snop  }
0x5: {  	_ = 	snop  }
0x6: {  	_ = 	snop  }
0x7: {  	_ = 	snop  }
__scs_overlays_trampoline_lowered:
0x8: {  	[smem:$0x3FA9] =	sst s0  }
0x9: {  	[smem:$0x3FAA] =	sst s1  }
0xa: {  	[smem:$0x3FAB] =	sst s2  }
0xb: {  	[smem:$0x3FAC] =	sst s3  }
0xc: {  	[smem:$0x3FAD] =	sst s4  }
0xd: {  	[smem:$0x3FAE] =	sst s5  }
0xe: {  	[smem:$0x3FAF] =	sst s6  }
0xf: {  	[smem:$0x3FB0] =	sst s7  }
0x10: {  	[smem:$0x3FB1] =	sst s8  }
0x11: {  	[smem:$0x3FB2] =	sst s9;
	s0 =	simm.s32 @!p0 $0x0  }
0x12: {  	s1 =	sld [smem:$0x3F98];
	s0 =	simm.s32 @p0 $0x1  }
0x13: {  	[smem:$0x3FB3] =	sst s0;
	s0 =	simm.s32 @!p1 $0x0  }
0x14: {  	s2 =	sld [smem:$0x3F97];
	s0 =	simm.s32 @p1 $0x1  }
0x15: {  	[smem:$0x3FB4] =	sst s0;
	s0 =	simm.s32 @!p2 $0x0  }
0x16: {  	s3 =	sld [smem:$0x3FDB];
	s0 =	simm.s32 @p2 $0x1  }
0x17: {  	s4 =	simm.s32 $0x1BF5;
	[smem:$0x3FB6] =	sst s0  }
0x18: {  	s0 =	sld [smem:$0x3F99];
	_ =	swait.ge [sflag:s4], $0x0  }
0x19: {  	s7 =	sld [smem:$0x3F9A]  }
0x1a: {  	s8 =	sadd.s32 $0xFFFFE003, lr  }
0x1b: {  	s9 =	sadd.s32 $0xFFFFFEF7, lr;
	s5 =	simm.s32 $0xFFFFFFFF;
	p2 =	slt.u32 s8, $0xFFFFF086  }
0x1c: {  	p1 =	slt.u32 s9, $0xF7A;
	s5 =	simm.s32 @!p2 $0x0  }
0x1d: {  	s5 =	simm.s32 @p1 $0x1;
	p0 =	seq.s32 s7, s2  }
0x1e: {  	s7 =	smul.u32 @!p0 $0xF7A, s2;
	p2 =	seq.s32 @!p0 s5, $0x0  }
0x1f: {  	s9 =	smul.u32 $0xF7A, s1;
	s8 =	simm.s32 @!p0 $0x1BF5;
	p2 =	por !p2, p0  }
0x20: {  	[sflag:s8] =	ssyncset.s32 @!p0 $0xFFFFF086;
	s6 =	sadd.s32 @!p0 s3, s7;
	s7 =	simm.s32 @!p0 $0x108  }
0x21: {  	s3 =	sadd.s32 s3, s9;
	s6 =	sadd.s32 @!p0 $0x88, s6;
	s7 =	simm.s32 @p2 $0x1082  }
0x22: {  	[simem:s7], [sflag:s8] =	dma.local @!p0 [hbm:s6], $0xF7A  }
0x23: {  	s9 =	sor.u32 $0xD0000000, s2;
	s6 =	simm.s32 $0x108;
	_ =	swait.ge @!p0 [sflag:s8], $0x0  }
0x24: {  	s3 =	sadd.s32 $0x88, s3;
	s6 =	simm.s32 @!p1 $0x1082;
	[sflag:s4] =	ssyncset.s32 $0xFFFFF086  }
0x25: {  	[simem:s6], [sflag:s4] =	dma.local [hbm:s3], $0xF7A  }
0x26: {  	[smem:$0x3F9A] =	sst s1;
	(tag) =	ssettag s2;
	_ =	strace s9  }
0x27: {  	s1 =	sld [smem:$0x3FAA]  }
0x28: {  	s2 =	sld [smem:$0x3FAB]  }
0x29: {  	s4 =	sld [smem:$0x3FAD]  }
0x2a: {  	p0 =	seq.s32 s5, $0x0;
	s5 =	sld [smem:$0x3FAE]  }
0x2b: {  	s6 =	sld [smem:$0x3FAF]  }
0x2c: {  	s7 =	sld [smem:$0x3FB0]  }
0x2d: {  	s3 =	simm.s32 $0x108;
	s8 =	sld [smem:$0x3FB1]  }
0x2e: {  	s3 =	simm.s32 @!p0 $0x1082;
	s9 =	sld [smem:$0x3FB2]  }
0x2f: {  	lr =	sadd.s32 s0, s3;
	s0 =	sld [smem:$0x3FA9]  }
0x30: {  	s3 =	sld [smem:$0x3FAC]  }
0x31: {  	[smem:$0x3FB5] =	sst s10  }
0x32: {  	s10 =	sld [smem:$0x3FB3];
	_ =	sdelay $0x3  }
0x33: {  	p0 =	seq.s32 s10, $0x1;
	s10 =	sld [smem:$0x3FB5];
	_ =	sdelay $0x3  }
0x34: {  	[smem:$0x3FB5] =	sst s10  }
0x35: {  	s10 =	sld [smem:$0x3FB4];
	_ =	sdelay $0x3  }
0x36: {  	p1 =	seq.s32 s10, $0x1;
	s10 =	sld [smem:$0x3FB5];
	_ =	sdelay $0x3  }
0x37: {  	[smem:$0x3FB5] =	sst s10  }
0x38: {  	s10 =	sld [smem:$0x3FB6]  }
0x39: {  	_ = 	snop;
	(pc) =	sbr.ind lr, $3  }
0x3a: {  	_ = 	snop  }
0x3b: {  	_ = 	snop  }
0x3c: {  	p2 =	seq.s32 s10, $0x1;
	s10 =	sld [smem:$0x3FB5]  }
0x3d: {  	_ =	shalt  }
0x3e: {  	_ =	shalt  }
0x3f: {  	_ =	shalt  }
0x40: {  	_ =	shalt  }
0x41: {  	_ =	shalt  }
0x42: {  	_ =	shalt  }
0x43: {  	_ =	shalt  }
0x44: {  	_ =	shalt  }
0x45: {  	_ =	shalt  }
0x46: {  	_ =	shalt  }
0x47: {  	_ =	shalt  }
0x48: {  	_ =	shalt  }
0x49: {  	_ =	shalt  }
0x4a: {  	_ =	shalt  }
0x4b: {  	_ =	shalt  }
0x4c: {  	_ =	shalt  }
0x4d: {  	_ =	shalt  }
0x4e: {  	_ =	shalt  }
0x4f: {  	_ =	shalt  }
0x50: {  	_ =	shalt  }
0x51: {  	_ =	shalt  }
0x52: {  	_ =	shalt  }
0x53: {  	_ =	shalt  }
0x54: {  	_ =	shalt  }
0x55: {  	_ =	shalt  }
0x56: {  	_ =	shalt  }
0x57: {  	_ =	shalt  }
0x58: {  	_ =	shalt  }
0x59: {  	_ =	shalt  }
0x5a: {  	_ =	shalt  }
0x5b: {  	_ =	shalt  }
0x5c: {  	_ =	shalt  }
0x5d: {  	_ =	shalt  }
0x5e: {  	_ =	shalt  }
0x5f: {  	_ =	shalt  }
0x60: {  	_ =	shalt  }
0x61: {  	_ =	shalt  }
0x62: {  	_ =	shalt  }
0x63: {  	_ =	shalt  }
0x64: {  	_ =	shalt  }
0x65: {  	_ =	shalt  }
0x66: {  	_ =	shalt  }
0x67: {  	_ =	shalt  }
0x68: {  	_ =	shalt  }
0x69: {  	_ =	shalt  }
0x6a: {  	_ =	shalt  }
0x6b: {  	_ =	shalt  }
0x6c: {  	_ =	shalt  }
0x6d: {  	_ =	shalt  }
0x6e: {  	_ =	shalt  }
0x6f: {  	_ =	shalt  }
0x70: {  	_ =	shalt  }
0x71: {  	_ =	shalt  }
0x72: {  	_ =	shalt  }
0x73: {  	_ =	shalt  }
0x74: {  	_ =	shalt  }
0x75: {  	_ =	shalt  }
0x76: {  	_ =	shalt  }
0x77: {  	_ =	shalt  }
0x78: {  	_ =	shalt  }
0x79: {  	_ =	shalt  }
0x7a: {  	_ =	shalt  }
0x7b: {  	_ =	shalt  }
0x7c: {  	_ =	shalt  }
0x7d: {  	_ =	shalt  }
0x7e: {  	_ =	shalt  }
0x7f: {  	_ =	shalt  }
0x80: {  	_ =	shalt  }
0x81: {  	_ =	shalt  }
0x82: {  	_ =	shalt  }
0x83: {  	_ =	shalt  }
0x84: {  	_ =	shalt  }
0x85: {  	_ =	shalt  }
0x86: {  	_ =	shalt  }
0x87: {  	_ =	shalt  }
.Lfunc_end0:
.L_simem_size_0:
called_computation.1_lowered:
.L_overlay_start_0:
0x88: {  	s2 =	sld [smem:$0x3FD9]  }
0x89: {  	s3 =	sld [smem:$0x3FFE];
	_ =	sdelay $0x1  }
0x8a: {  	s1 =	srdreg.scid  }
0x8b: {  	s0 =	sand.u32 $0x1, s1  }
0x8c: {  	s17 =	sshll.u32 s0, $0xA;
	s2 =	sadd.s32 s3, s2  }
0x8d: {  	s2 =	sadd.s32 s2, s17  }
0x8e: {  	[smem:$0x3FC1] =	sst s2  }
0x8f: {  	_ = 	snop  }
0x90: {  	s2 =	sld [smem:$0x3FD0];
	(tm) =	ssettm $0x1  }
0x91: {  	s18 =	sld [smem:$0x3FFB];
	_ =	sdelay $0x3  }
0x92: {  	_ =	strace s18  }
0x93: {  	s3 =	sld [smem:$0x3FFC];
	_ =	sdelay $0x3  }
0x94: {  	_ =	strace s3  }
0x95: {  	s3 =	sld [smem:$0x3FFD];
	_ =	sdelay $0x3  }
0x96: {  	_ =	strace s3  }
0x97: {  	_ =	strace $0x8FFFFFFF  }
0x98: {  	s19 =	sld [smem:$0x3FDB];
	_ =	sdelay $0x1  }
0x99: {  	s4 =	simm.s32 $_scs_section_size  }
0x9a: {  	s5 =	simm.s32 $_size__tile_overlayer_lowered;
	s6 =	simm.s32 $_tile_overlayer_lowered  }
0x9b: {  	s22 =	simm.s32 $0x1BFF;
	s21 =	sshll.u32 s6, $0x1;
	s3 =	sadd.s32 s4, s19  }
0x9c: {  	s7 =	simm.s32 $0x0;
	s20 =	sshll.u32 s5, $0x1;
	s5 =	sadd.s32 s21, s3  }
0x9d: {  	[timem:s7], [sflag:s22] =	dma.local [hbm:s5], s20  }
0x9e: {  	_ =	swait.ge [sflag:s22], s20  }
0x9f: {  	s4 =	ssub.s32 $0x0, s20;
	[sflag:s22] =	ssyncset.done $0x0  }
0xa0: {  	[sflag:s22] =	ssyncadd.s32 s4;
	_ =	sdelay $0x1  }
0xa1: {  	s23 =	simm.s32 $0x1B8B  }
0xa2: {  	_ =	swait.ge [sflag:s23], $0x1  }
0xa3: {  	[sflag:s23] =	ssyncset.done $0x0  }
0xa4: {  	s25 =	simm.s32 $0x1B8E;
	s24 =	sld [smem:$0x3FFE];
	[sflag:s23] =	ssyncadd.s32 $0xFFFFFFFF  }
0xa5: {  	s26 =	simm.s32 $execute0_lowered;
	[smem:$0x3FD2] =	sst s25  }
0xa6: {  	s5 =	sshll.u32 s26, $0x1;
	_ =	strace $0x80000046;
	[dreg:$0x1] =	wrdreg $0xFFFFFFFF  }
0xa7: {  	s28 =	simm.s32 $_size_execute0_lowered;
	s3 =	sadd.s32 s3, s5;
	[dreg:$0x0] =	wrdreg $0x0  }
0xa8: {  	s5 =	sshll.u32 s28, $0x1;
	[dreg:$0x2] =	wrdreg s3  }
0xa9: {  	[dreg:$0x3] =	wrdreg s5  }
0xaa: {  	[dreg:$0x4] =	wrdreg $0xC0  }
0xab: {  	_ =	task [dreg:s7], $0x5FFFF  }
0xac: {  	[dreg:$0x1] =	wrdreg $0xFFFFFFFF  }
0xad: {  	[dreg:$0x0] =	wrdreg $0x60  }
0xae: {  	[dreg:$0x2] =	wrdreg s2  }
0xaf: {  	[dreg:$0x3] =	wrdreg s24  }
0xb0: {  	[dreg:$0x4] =	wrdreg $0x9  }
0xb1: {  	_ =	task.clear_ibuf [dreg:s7], $0x5FFFF;
	_ =	strace $0x90000046  }
0xb2: {  	s29 =	simm.s32 $0x9;
	_ =	strace $0x8000004F  }
0xb3: {  	_ =	swait.ge [sflag:s29], $0x1  }
0xb4: {  	[sflag:s29] =	ssyncadd.s32 $0xFFFFFFFF  }
0xb5: {  	_ =	strace $0x9000004F  }
0xb6: {  	_ =	sfence  }
0xb7: {  	s30 =	sld [smem:$0x0];
	_ =	sdelay $0x2  }
0xb8: {  	s31 =	sshll.u32 s1, $0xD;
	s1 =	sshrl.u32 s1, $0x2  }
0xb9: {  	s3 =	sand.u32 $0x4000, s31;
	s1 =	sadd.s32 s1, s30  }
0xba: {  	s0 =	sor.u32 s3, s0;
	s1 =	sshll.u32 s1, $0x11  }
0xbb: {  	s0 =	sor.u32 s1, s0  }
0xbc: {  	s0 =	sadd.s32 $0x8F2B, s0  }
0xbd: {  	[sflag:s0] =	ssyncadd.remote.s32 $0x1  }
0xbe: {  	_ =	sfence.sel $0xFFFF  }
0xbf: {  	[dreg:$0x0] =	wrdreg $0xFFFFFFFF;
	(pc) =	sbr.abs _section_cstart, $3  }
0xc0: {  	[dreg:$0x1] =	wrdreg $0xFFFFFFFF  }
0xc1: {  	_ =	task.clear_ibuf [dreg:s7], $0x2FFFF;
	_ =	strace $0x9FFFFFFF  }
0xc2: {  	(tm) =	ssettm $0x7FFFFFFF  }
0xc3: {  	_ =	shalt  }
tec
execute0_lowered:
.L_overlay_start_1:
0x0: {  	(tag) =	ssettag $0x1  }
0x1: {  	s1 =	rddreg [dreg:$0x0]  }
0x2: {  	s5 =	rddreg [dreg:$0x1];
	s2 =	simm.s32 $0x0  }
0x3: {  	s3 =	srdreg.scid;
	s0 =	stileid.u32;
	s31 =	simm.s32 $0x320  }
0x4: {  	s10 =	simm.s32 $0x5;
	s11 =	simm.s32 $0x4;
	s12 =	simm.s32 $0x0  }
0x5: {  	[smem:$0x7FF] =	sst s2;
	s6 =	sand.u32 $0x1, s3;
	s4 =	sadd.s32 $0x1200, s5  }
0x6: {  	s5 =	sadd.s32 $0x7600, s5;
	s7 =	sshll.u32 s6, $0x4;
	s6 =	ssub.s32 $0x2, s6  }
0x7: {  	_ =	strace $0x80000047;
	s7 =	sor.u32 s0, s7;
	s8 =	sshrl.u32 s6, $0x1  }
0x8: {  	[dreg:$0x4] =	wrdreg s5;
	s9 =	smul.u32 $0x320, s7;
	s8 =	ssub.s32 s6, s8  }
0x9: {  	[dreg:$0x3] =	wrdreg s31;
	s5 =	sshll.u32 s7, $0x3;
	s7 =	smax.u32 s8, $0x1  }
0xa: {  	s8 =	simm.s32 $0x1;
	s6 =	sadd.s32 s4, s9;
	s9 =	simm.s32 $0xC8  }
.LBB2_1:
0xb: {  	_ =	strace $0x80000048;
	s13 =	simm.s32 $0x1;
	p0 =	por $0x0, $0x0  }
0xc: {  	[tilespmem:s2], [sflag:$0x1] =	stream.linear.gather [hbm4b:s6+s2], $0x320, $0x200038;
	[tilespmem:$0x19640] =	vst v63  }
0xd: {  	s13 =	simm.s32 @p0 $0x0  }
0xe: {  	p1 =	por $0x1, $0x1;
	p0 =	sne.s32 s13, $0x0  }
0xf: {  	p1 =	por !p1, !p0  }
0x10: {  	p1 =	por !p1, !p1  }
0x11: {  	s14 =	sadd.s32 @p1 s5, s13  }
0x12: {  	s15 =	sand.u32 @p1 $0x1, s8;
	s14 =	smul.u32 @p1 $0x320, s14  }
0x13: {  	_ =	strace $0x90000048;
	s16 =	smul.u32 @p1 $0xC80, s15  }
0x14: {  	s17 =	simm.s32 @p1 $0x0;
	_ =	strace @p1 $0x80000049;
	s14 =	sshrl.u32 @p1 s14, $0x3  }
0x15: {  	s15 =	sadd.s32 @p1 $0x1, s15;
	s16 =	sshrl.u32 @p1 s16, $0x2;
	s14 =	sadd.s32 @p1 s4, s14  }
0x16: {  	[tilespmem:s16], [sflag:s15] =	stream.linear.gather @p1 [hbm4b:s14+s17], $0x320, $0x200038;
	[tilespmem:$0x19640] =	vst v63  }
0x17: {  	s20 =	sand.u32 $0x1, s2;
	_ =	strace @p1 $0x90000049  }
0x18: {  	s24 =	sadd.s32 $0x1, s20;
	_ =	strace $0x8000004A  }
0x19: {  	p3 =	por $0x1, $0x1;
	_ =	swait.ge [sflag:s24], $0x320  }
0x1a: {  	p6 =	por $0x0, $0x0;
	s25 =	smul.u32 $0x32000, s20;
	[sflag:s24] =	ssyncset.done $0x0  }
0x1b: {  	p5 =	por $0x1, $0x1;
	s29 =	simm.s32 $0x1;
	[sflag:s24] =	ssyncadd.s32 $0xFFFFFCE0  }
0x1c: {  	p2 =	seq.s32 s20, $0x1;
	s18 =	sshrl.u32 s25, $0x2;
	_ =	strace $0x9000004A  }
0x1d: {  	p0 =	por p0, p0;
	s22 =	sor.u32 $0x640, s18;
	_ =	strace $0x8000004B  }
0x1e: {  	s26 =	sadd.s32 $0x3840, s18;
	s21 =	sadd.s32 $0x6A40, s18;
	s15 =	rddreg [dreg:$0x3]  }
0x1f: {  	s18 =	sadd.s32 $0x9C40, s18;
	p6 =	por p6, p0;
	s15 =	simm.s32 @!p2 $0x0  }
0x20: {  	[tilespmem:s22], [sflag:$0x5] =	stream.indirect.gather [hbm4b:s1+s9], $0x40, s15, s9, $0x2000b8;
	[tilespmem:$0x19640] =	vst v63  }
0x21: {  	s28 =	simm.s32 @p6 $0x0;
	s14 =	simm.s32 $0x7;
	_ =	swait.ge [sflag:s10], $0x3200  }
0x22: {  	s16 =	simm.s32 $0x1;
	s17 =	simm.s32 $0x6;
	[sflag:s10] =	ssyncset.done $0x0  }
0x23: {  	s16 =	simm.s32 @!p1 $0x0;
	s19 =	sor.u32 $0xC8, s15;
	[sflag:s10] =	ssyncadd.s32 $0xFFFFCE00  }
0x24: {  	[tilespmem:s26], [sflag:$0x5] =	stream.indirect.gather [hbm4b:s1+s9], $0x40, s19, s9, $0x2000b8;
	[tilespmem:$0x19640] =	vst v63  }
0x25: {  	p1 =	por p3, p3;
	s16 =	sadd.s32 $0x1, s16;
	_ =	swait.ge [sflag:s10], $0x3200  }
0x26: {  	s24 =	simm.s32 $0x1;
	p2 =	por $0x0, $0x0;
	[sflag:s10] =	ssyncset.done $0x0  }
0x27: {  	s23 =	sadd.s32 $0x190, s15;
	s25 =	sadd.s32 $0x258, s15;
	[sflag:s10] =	ssyncadd.s32 $0xFFFFCE00  }
0x28: {  	[tilespmem:s21], [sflag:$0x5] =	stream.indirect.gather [hbm4b:s1+s9], $0x40, s23, s9, $0x2000b8;
	[tilespmem:$0x19640] =	vst v63  }
0x29: {  	s19 =	sand.u32 @!p3 $0x1, s2;
	p3 =	por $0x0, $0x0;
	_ =	swait.ge [sflag:s10], $0x3200  }
0x2a: {  	s23 =	sadd.s32 @!p1 $0x3, s19;
	s19 =	sadd.s32 $0x1, s13;
	[sflag:s10] =	ssyncset.done $0x0  }
0x2b: {  	s24 =	simm.s32 @!p3 $0x0;
	p3 =	seq.s32 s19, $0x8;
	[sflag:s10] =	ssyncadd.s32 $0xFFFFCE00  }
0x2c: {  	[tilespmem:s18], [sflag:$0x5] =	stream.indirect.gather [hbm4b:s1+s9], $0x40, s25, s9, $0x2000b8;
	[tilespmem:$0x19640] =	vst v63  }
0x2d: {  	s15 =	sadd.s32 $0x0, s24;
	s19 =	simm.s32 @p3 $0x0;
	_ =	swait.ge [sflag:s10], $0x3200  }
0x2e: {  	s21 =	sadd.s32 $0x0, s5;
	p4 =	sne.s32 s13, s19;
	[sflag:s10] =	ssyncset.done $0x0  }
0x2f: {  	s31 =	smul.u32 @p6 $0xC800, s21;
	p5 =	por !p5, !p4;
	[sflag:s10] =	ssyncadd.s32 $0xFFFFCE00  }
0x30: {  	s21 =	simm.s32 $0x0;
	p5 =	por !p5, !p5;
	_ =	strace $0x9000004B  }
0x31: {  	s18 =	simm.s32 $0x0;
	s24 =	sadd.s32 @p5 s5, s19;
	_ =	strace @p6 $0x8000004C  }
0x32: {  	s29 =	simm.s32 @!p5 $0x0;
	s26 =	sand.u32 @p5 $0x1, s16;
	s30 =	rddreg [dreg:$0x4]  }
.LBB2_2:
0x33: {  	p0 =	por p4, p4  }
0x34: {  	s3 =	simm.s32 @!p0 $0x0  }
0x35: {  	s16 =	sadd.s32 s29, s16;
	s29 =	sshrl.u32 @p6 s31, $0x3;
	s3 =	simm.s32 @p0 $0x1  }
0x36: {  	s20 =	sadd.s32 @p6 $0x3, s20;
	s29 =	sadd.s32 @p6 s30, s29;
	[smem:$0x7FD] =	sst s3  }
0x37: {  	[hbm4b:s29+s28] =	stream.linear.scatter @p6 [tilespmem:s22], [sflag:s20], $0xC800, $0x200038;
	[tilespmem:$0x19640] =	vst v63  }
0x38: {  	s0 =	smul.u32 @p5 $0x320, s24;
	_ =	strace @p6 $0x9000004C  }
0x39: {  	_ =	strace @!p1 $0x8000004D  }
0x3a: {  	s0 =	sshrl.u32 @p5 s0, $0x3;
	_ =	swait.ge @!p1 [sflag:s23], $0xC800  }
0x3b: {  	s30 =	simm.s32 $0x1;
	s3 =	smul.u32 @p5 $0xC80, s26;
	[sflag:s23] =	ssyncset.done @!p1 $0x0  }
0x3c: {  	s30 =	simm.s32 @!p6 $0x0;
	s0 =	sadd.s32 @p5 s4, s0;
	[sflag:s23] =	ssyncadd.s32 @!p1 $0xFFFF3800  }
0x3d: {  	s20 =	sadd.s32 @p5 $0x1, s26;
	s21 =	sadd.s32 s30, s21;
	_ =	strace @!p1 $0x9000004D  }
0x3e: {  	s3 =	sshrl.u32 @p5 s3, $0x2;
	s23 =	simm.s32 @p5 $0x0;
	_ =	strace @p5 $0x80000049  }
0x3f: {  	[tilespmem:s3], [sflag:s20] =	stream.linear.gather @p5 [hbm4b:s0+s23], $0x320, $0x200038;
	[tilespmem:$0x19640] =	vst v63  }
0x40: {  	s22 =	sand.u32 $0x1, s21;
	_ =	strace @p5 $0x90000049  }
0x41: {  	s20 =	sadd.s32 $0x1, s22;
	_ =	strace $0x8000004A  }
0x42: {  	_ =	swait.ge [sflag:s20], $0x320  }
0x43: {  	s18 =	sadd.s32 s30, s18;
	[sflag:s20] =	ssyncset.done $0x0  }
0x44: {  	[sflag:s20] =	ssyncadd.s32 $0xFFFFFCE0;
	s20 =	sand.u32 $0x1, s18  }
0x45: {  	_ =	strace $0x9000004A;
	s23 =	smul.u32 $0x32000, s20  }
0x46: {  	_ =	strace $0x8000004B  }
0x47: {  	p0 =	seq.s32 s22, $0x1;
	s3 =	rddreg [dreg:$0x3];
	s0 =	sshrl.u32 s23, $0x2  }
0x48: {  	s22 =	sor.u32 $0x640, s0;
	s3 =	simm.s32 @!p0 $0x0  }
0x49: {  	[tilespmem:s22], [sflag:$0x5] =	stream.indirect.gather [hbm4b:s1+s9], $0x40, s3, s9, $0x2000b8;
	[tilespmem:$0x19640] =	vst v63  }
0x4a: {  	s24 =	smov.u32 s14;
	_ =	swait.ge [sflag:s10], $0x3200  }
0x4b: {  	s14 =	smov.u32 s17;
	s17 =	sadd.s32 $0xFFFFFFFF, s17;
	[sflag:s10] =	ssyncset.done $0x0  }
0x4c: {  	s23 =	sadd.s32 $0x3840, s0;
	s26 =	sor.u32 $0xC8, s3;
	[sflag:s10] =	ssyncadd.s32 $0xFFFFCE00  }
0x4d: {  	[tilespmem:s23], [sflag:$0x5] =	stream.indirect.gather [hbm4b:s1+s9], $0x40, s26, s9, $0x2000b8;
	[tilespmem:$0x19640] =	vst v63  }
0x4e: {  	s25 =	sand.u32 @!p2 $0x1, s15;
	p3 =	sne.s32 s17, $0x0;
	_ =	swait.ge [sflag:s10], $0x3200  }
0x4f: {  	p4 =	sne.s32 s24, $0x8;
	s29 =	simm.s32 $0x1;
	[sflag:s10] =	ssyncset.done $0x0  }
0x50: {  	s23 =	sadd.s32 $0x6A40, s0;
	s26 =	sadd.s32 $0x190, s3;
	[sflag:s10] =	ssyncadd.s32 $0xFFFFCE00  }
0x51: {  	[tilespmem:s23], [sflag:$0x5] =	stream.indirect.gather [hbm4b:s1+s9], $0x40, s26, s9, $0x2000b8;
	[tilespmem:$0x19640] =	vst v63  }
0x52: {  	s30 =	sadd.s32 s5, s13;
	s13 =	smov.u32 s19;
	_ =	swait.ge [sflag:s10], $0x3200  }
0x53: {  	s19 =	sadd.s32 $0x1, s19;
	p1 =	por p2, p2;
	[sflag:s10] =	ssyncset.done $0x0  }
0x54: {  	s0 =	sadd.s32 $0x9C40, s0;
	s3 =	sadd.s32 $0x258, s3;
	[sflag:s10] =	ssyncadd.s32 $0xFFFFCE00  }
0x55: {  	[tilespmem:s0], [sflag:$0x5] =	stream.indirect.gather [hbm4b:s1+s9], $0x40, s3, s9, $0x2000b8;
	[tilespmem:$0x19640] =	vst v63  }
0x56: {  	s23 =	sadd.s32 @!p1 $0x3, s25;
	s25 =	simm.s32 $0x1;
	_ =	swait.ge [sflag:s10], $0x3200  }
0x57: {  	s25 =	simm.s32 @!p4 $0x0;
	p4 =	seq.s32 s19, $0x8;
	s26 =	sld [smem:$0x7FD]  }
0x58: {  	p2 =	seq.s32 s14, $0x8;
	p5 =	seq.s32 s24, $0x1;
	s19 =	simm.s32 @p4 $0x0  }
0x59: {  	p0 =	sne.s32 s14, $0x1;
	s15 =	sadd.s32 s25, s15;
	p4 =	sne.s32 s13, s19  }
.Ltmp0:
0x5a: {  	[sflag:s10] =	ssyncset.done $0x0;
	p6 =	seq.s32 s26, $0x1;
	(pc) =	sbr.rel @p3 .LBB2_2-.Ltmp0, $4  }
0x5b: {  	p0 =	por !p0, !p4;
	[sflag:s10] =	ssyncadd.s32 $0xFFFFCE00;
	p6 =	por p5, p6  }
0x5c: {  	_ =	strace $0x9000004B;
	p5 =	por !p0, !p0;
	s28 =	simm.s32 @p6 $0x0  }
0x5d: {  	s24 =	sadd.s32 @p5 s5, s19;
	s29 =	simm.s32 @!p5 $0x0;
	_ =	strace @p6 $0x8000004C  }
0x5e: {  	s26 =	sand.u32 @p5 $0x1, s16;
	s31 =	smul.u32 @p6 $0xC800, s30;
	s30 =	rddreg [dreg:$0x4]  }
0x5f: {  	_ = 	snop  }
0x60: {  	s0 =	sshrl.u32 @p6 s31, $0x3  }
0x61: {  	s3 =	sadd.s32 @p6 $0x3, s20;
	s0 =	sadd.s32 @p6 s30, s0  }
0x62: {  	[hbm4b:s0+s28] =	stream.linear.scatter @p6 [tilespmem:s22], [sflag:s3], $0xC800, $0x200038;
	[tilespmem:$0x19640] =	vst v63  }
0x63: {  	_ =	strace @p6 $0x9000004C  }
0x64: {  	_ =	strace @!p1 $0x8000004D  }
0x65: {  	s16 =	smul.u32 @p5 $0xC80, s26;
	s19 =	sadd.s32 @p5 $0x1, s26;
	_ =	swait.ge @!p1 [sflag:s23], $0xC800  }
0x66: {  	s20 =	simm.s32 @p5 $0x0;
	s0 =	smul.u32 @p5 $0x320, s24;
	[sflag:s23] =	ssyncset.done @!p1 $0x0  }
0x67: {  	s16 =	sshrl.u32 @p5 s16, $0x2;
	s3 =	simm.s32 $0x1;
	[sflag:s23] =	ssyncadd.s32 @!p1 $0xFFFF3800  }
0x68: {  	s3 =	simm.s32 @!p6 $0x0;
	s0 =	sshrl.u32 @p5 s0, $0x3;
	_ =	strace @!p1 $0x9000004D  }
0x69: {  	s17 =	sadd.s32 s3, s21;
	s0 =	sadd.s32 @p5 s4, s0;
	_ =	strace @p5 $0x80000049  }
0x6a: {  	[tilespmem:s16], [sflag:s19] =	stream.linear.gather @p5 [hbm4b:s0+s20], $0x320, $0x200038;
	[tilespmem:$0x19640] =	vst v63  }
0x6b: {  	s24 =	sand.u32 $0x1, s17;
	_ =	strace @p5 $0x90000049  }
0x6c: {  	s25 =	sadd.s32 $0x1, s24;
	_ =	strace $0x8000004A  }
0x6d: {  	_ =	swait.ge [sflag:s25], $0x320  }
0x6e: {  	s3 =	sadd.s32 s3, s18;
	[sflag:s25] =	ssyncset.done $0x0  }
0x6f: {  	s3 =	sand.u32 $0x1, s3;
	[sflag:s25] =	ssyncadd.s32 $0xFFFFFCE0  }
0x70: {  	s26 =	smul.u32 $0x32000, s3;
	_ =	strace $0x9000004A  }
0x71: {  	_ =	strace $0x8000004B  }
0x72: {  	p0 =	seq.s32 s24, $0x1;
	s16 =	sshrl.u32 s26, $0x2;
	s17 =	rddreg [dreg:$0x3]  }
0x73: {  	s0 =	sor.u32 $0x640, s16;
	s17 =	simm.s32 @!p0 $0x0  }
0x74: {  	[tilespmem:s0], [sflag:$0x5] =	stream.indirect.gather [hbm4b:s1+s9], $0x40, s17, s9, $0x2000b8;
	[tilespmem:$0x19640] =	vst v63  }
0x75: {  	_ =	swait.ge [sflag:s10], $0x3200  }
0x76: {  	[sflag:s10] =	ssyncset.done $0x0  }
0x77: {  	s28 =	sadd.s32 $0x3840, s16;
	s29 =	sor.u32 $0xC8, s17;
	[sflag:s10] =	ssyncadd.s32 $0xFFFFCE00  }
0x78: {  	[tilespmem:s28], [sflag:$0x5] =	stream.indirect.gather [hbm4b:s1+s9], $0x40, s29, s9, $0x2000b8;
	[tilespmem:$0x19640] =	vst v63  }
0x79: {  	_ =	swait.ge [sflag:s10], $0x3200  }
0x7a: {  	[sflag:s10] =	ssyncset.done $0x0  }
0x7b: {  	s30 =	sadd.s32 $0x6A40, s16;
	s31 =	sadd.s32 $0x190, s17;
	[sflag:s10] =	ssyncadd.s32 $0xFFFFCE00  }
0x7c: {  	[tilespmem:s30], [sflag:$0x5] =	stream.indirect.gather [hbm4b:s1+s9], $0x40, s31, s9, $0x2000b8;
	[tilespmem:$0x19640] =	vst v63  }
0x7d: {  	_ =	swait.ge [sflag:s10], $0x3200  }
0x7e: {  	[sflag:s10] =	ssyncset.done $0x0  }
0x7f: {  	s16 =	sadd.s32 $0x9C40, s16;
	s17 =	sadd.s32 $0x258, s17;
	[sflag:s10] =	ssyncadd.s32 $0xFFFFCE00  }
0x80: {  	[tilespmem:s16], [sflag:$0x5] =	stream.indirect.gather [hbm4b:s1+s9], $0x40, s17, s9, $0x2000b8;
	[tilespmem:$0x19640] =	vst v63  }
0x81: {  	_ =	swait.ge [sflag:s10], $0x3200  }
0x82: {  	p6 =	seq.s32 s14, $0x1;
	p5 =	por p4, p4;
	[sflag:s10] =	ssyncset.done $0x0  }
0x83: {  	s13 =	sadd.s32 s5, s13;
	p0 =	por p6, p5;
	[sflag:s10] =	ssyncadd.s32 $0xFFFFCE00  }
0x84: {  	s13 =	smul.u32 @p0 $0xC800, s13;
	_ =	strace $0x9000004B  }
0x85: {  	_ =	strace @p0 $0x8000004C  }
0x86: {  	s13 =	sshrl.u32 @p0 s13, $0x3;
	s14 =	rddreg [dreg:$0x4]  }
0x87: {  	s3 =	sadd.s32 @p0 $0x3, s3;
	s16 =	simm.s32 @p0 $0x0;
	s13 =	sadd.s32 @p0 s14, s13  }
0x88: {  	[hbm4b:s13+s16] =	stream.linear.scatter @p0 [tilespmem:s0], [sflag:s3], $0xC800, $0x200038;
	[tilespmem:$0x19640] =	vst v63  }
0x89: {  	p1 =	por p2, p2;
	s0 =	sand.u32 @!p2 $0x1, s15;
	_ =	strace @p0 $0x9000004C  }
0x8a: {  	s0 =	sadd.s32 @!p1 $0x3, s0;
	_ =	strace @!p1 $0x8000004D  }
0x8b: {  	_ =	swait.ge @!p1 [sflag:s0], $0xC800  }
0x8c: {  	[sflag:s0] =	ssyncset.done @!p1 $0x0  }
0x8d: {  	s12 =	sadd.s32 $0x1, s12;
	[sflag:s0] =	ssyncadd.s32 @!p1 $0xFFFF3800  }
0x8e: {  	p0 =	sne.s32 s12, s7;
	_ =	strace @!p1 $0x9000004D  }
.Ltmp1:
0x8f: {  	_ =	strace $0x8000004E;
	(pc) =	sbr.rel @p0 .LBB2_1-.Ltmp1, $4  }
0x90: {  	_ =	swait.ge [sflag:s11], $0xC800  }
0x91: {  	[sflag:s11] =	ssyncset.done $0x0  }
0x92: {  	[sflag:s11] =	ssyncadd.s32 $0xFFFF3800  }
0x93: {  	_ =	strace $0x9000004E  }
0x94: {  	_ =	sfence.sel $0x180000  }
0x95: {  	[bflag:$0x0] =	sbarrier.arrive $0xFFFF  }
0x96: {  	_ =	strace $0x90000047  }
0x97: {  	s0 =	stileid.u32;
	[bflag:$0x2] =	sbarrier.arrive $0xFFFF  }
0x98: {  	p0 =	sne.s32 s0, $0x0;
	s0 =	rddreg [dreg:$0x2]  }
0x99: {  	s0 =	sadd.s32 @!p0 $0x100000, s0  }
0x9a: {  	[sflag:s0] =	ssyncadd.tile.s32 @!p0 $0x1;
	_ =	shalt  }
.Lfunc_end2:
_tile_overlayer_lowered:
.L_overlay_start_2:
0x9b: {  	(tag) =	ssettag $0x2  }
0x9c: {  	s0 =	rddreg [dreg:$0x0];
	s2 =	stileid.u32  }
0x9d: {  	s1 =	rddreg [dreg:$0x1];
	p0 =	sne.s32 s2, $0x0  }
0x9e: {  	s3 =	rddreg [dreg:$0x2];
	[bflag:$0x3] =	sbarrier.arrive $0xFFFF;
	s2 =	simm.s32 @!p0 $0x1C01  }
0x9f: {  	[timem:s3], [sflag:s2] =	dma.local @!p0 [hbm:s0], s1  }
0xa0: {  	s0 =	simm.s32 @!p0 $0x1  }
0xa1: {  	_ =	swait.ge @!p0 [sflag:s0], s1  }
0xa2: {  	s1 =	ssub.s32 @!p0 $0x0, s1;
	[sflag:s0] =	ssyncset.done @!p0 $0x0  }
0xa3: {  	[sflag:s0] =	ssyncadd.s32 @!p0 s1  }
0xa4: {  	[bflag:$0x3] =	sbarrier.arrive $0xFFFF  }
0xa5: {  	_ =	shalt  }

// kernel: sparse-core-data-format-call.cloned.1.call-start
scs
called_computation_lowered:
.L_overlay_start_0:
0x0: {  	s2 =	sld [smem:$0x3FD9]  }
0x1: {  	s3 =	sld [smem:$0x3FFE];
	_ =	sdelay $0x1  }
0x2: {  	s1 =	srdreg.scid  }
0x3: {  	s0 =	sand.u32 $0x1, s1  }
0x4: {  	s18 =	sshll.u32 s0, $0xA;
	s2 =	sadd.s32 s3, s2  }
0x5: {  	s2 =	sadd.s32 s2, s18  }
0x6: {  	[smem:$0x3FC1] =	sst s2  }
0x7: {  	_ = 	snop  }
0x8: {  	s2 =	sld [smem:$0x3FD0];
	(tm) =	ssettm $0x1  }
0x9: {  	s19 =	sld [smem:$0x3FFB];
	_ =	sdelay $0x3  }
0xa: {  	_ =	strace s19  }
0xb: {  	s3 =	sld [smem:$0x3FFC];
	_ =	sdelay $0x3  }
0xc: {  	_ =	strace s3  }
0xd: {  	s3 =	sld [smem:$0x3FFD];
	_ =	sdelay $0x3  }
0xe: {  	_ =	strace s3  }
0xf: {  	_ =	strace $0x8FFFFFFF  }
0x10: {  	s20 =	sld [smem:$0x3FDB];
	_ =	sdelay $0x1  }
0x11: {  	s4 =	simm.s32 $_scs_section_size  }
0x12: {  	s5 =	simm.s32 $_size__tile_overlayer_lowered;
	s6 =	simm.s32 $_tile_overlayer_lowered  }
0x13: {  	s23 =	simm.s32 $0x1BFF;
	s22 =	sshll.u32 s6, $0x1;
	s3 =	sadd.s32 s4, s20  }
0x14: {  	s7 =	simm.s32 $0x0;
	s21 =	sshll.u32 s5, $0x1;
	s5 =	sadd.s32 s22, s3  }
0x15: {  	[timem:s7], [sflag:s23] =	dma.local [hbm:s5], s21  }
0x16: {  	_ =	swait.ge [sflag:s23], s21  }
0x17: {  	s4 =	ssub.s32 $0x0, s21;
	[sflag:s23] =	ssyncset.done $0x0  }
0x18: {  	[sflag:s23] =	ssyncadd.s32 s4;
	_ =	sdelay $0x1  }
0x19: {  	s24 =	simm.s32 $0x1B8B  }
0x1a: {  	_ =	swait.ge [sflag:s24], $0x1  }
0x1b: {  	[sflag:s24] =	ssyncset.done $0x0  }
0x1c: {  	s26 =	simm.s32 $0x1B8E;
	s25 =	sld [smem:$0x3FFE];
	[sflag:s24] =	ssyncadd.s32 $0xFFFFFFFF  }
0x1d: {  	s27 =	simm.s32 $execute0_lowered;
	[smem:$0x3FD2] =	sst s26  }
0x1e: {  	s5 =	sshll.u32 s27, $0x1;
	_ =	strace $0x80000050;
	[dreg:$0x1] =	wrdreg $0xFFFFFFFF  }
0x1f: {  	s28 =	simm.s32 $_size_execute0_lowered;
	s3 =	sadd.s32 s3, s5;
	[dreg:$0x0] =	wrdreg $0x0  }
0x20: {  	s5 =	sshll.u32 s28, $0x1;
	[dreg:$0x2] =	wrdreg s3  }
0x21: {  	[dreg:$0x3] =	wrdreg s5  }
0x22: {  	[dreg:$0x4] =	wrdreg $0xC0  }
0x23: {  	_ =	task [dreg:s7], $0x5FFFF  }
0x24: {  	[dreg:$0x1] =	wrdreg $0xFFFFFFFF  }
0x25: {  	[dreg:$0x0] =	wrdreg $0x60  }
0x26: {  	[dreg:$0x2] =	wrdreg s25  }
0x27: {  	[dreg:$0x3] =	wrdreg s2  }
0x28: {  	[dreg:$0x4] =	wrdreg $0x9  }
0x29: {  	_ =	task.clear_ibuf [dreg:s7], $0x5FFFF;
	_ =	strace $0x90000050  }
0x2a: {  	s29 =	simm.s32 $0x9;
	_ =	strace $0x80000052  }
0x2b: {  	_ =	swait.ge [sflag:s29], $0x1  }
0x2c: {  	[sflag:s29] =	ssyncadd.s32 $0xFFFFFFFF  }
0x2d: {  	_ =	strace $0x90000052  }
0x2e: {  	_ =	sfence  }
0x2f: {  	s30 =	sld [smem:$0x0];
	_ =	sdelay $0x2  }
0x30: {  	s31 =	sshll.u32 s1, $0xD;
	s1 =	sshrl.u32 s1, $0x2  }
0x31: {  	s3 =	sand.u32 $0x4000, s31;
	s1 =	sadd.s32 s1, s30  }
0x32: {  	s0 =	sor.u32 s3, s0;
	s1 =	sshll.u32 s1, $0x11  }
0x33: {  	s0 =	sor.u32 s1, s0  }
0x34: {  	s0 =	sadd.s32 $0x8F2B, s0  }
0x35: {  	[sflag:s0] =	ssyncadd.remote.s32 $0x1  }
0x36: {  	_ =	sfence.sel $0xFFFF  }
0x37: {  	[dreg:$0x0] =	wrdreg $0xFFFFFFFF;
	(pc) =	sbr.abs _section_cstart, $3  }
0x38: {  	[dreg:$0x1] =	wrdreg $0xFFFFFFFF  }
0x39: {  	_ =	task.clear_ibuf [dreg:s7], $0x2FFFF;
	_ =	strace $0x9FFFFFFF  }
0x3a: {  	(tm) =	ssettm $0x7FFFFFFF  }
0x3b: {  	_ =	shalt  }
tec
execute0_lowered:
.L_overlay_start_1:
0x0: {  	(tag) =	ssettag $0x1  }
0x1: {  	s0 =	stileid.u32;
	s6 =	rddreg [dreg:$0x0]  }
0x2: {  	s2 =	rddreg [dreg:$0x1];
	s5 =	srdreg.scid  }
0x3: {  	s31 =	simm.s32 $0x2;
	s13 =	simm.s32 $0x0;
	s1 =	sshll.u32 s0, $0x7  }
0x4: {  	s14 =	simm.s32 $0x0;
	s12 =	simm.s32 $0x0;
	s3 =	sand.u32 $0x380, s1  }
0x5: {  	s5 =	sshll.u32 s5, $0x4;
	s6 =	sadd.s32 $0x1200, s6;
	s4 =	ssub.s32 $0x400, s3  }
0x6: {  	s1 =	rddreg [dreg:$0x2];
	_ =	strace $0x80000051;
	s7 =	sand.u32 $0x380, s4  }
0x7: {  	s5 =	sand.u32 $0x10, s5;
	p0 =	sne.s32 s7, $0x0;
	s7 =	simm.s32 $0x1  }
.Ltmp0:
0x8: {  	s8 =	sshrl.u32 s4, $0xA;
	s7 =	simm.s32 @!p0 $0x0;
	(pc) =	sbr.rel .LBB1_1-.Ltmp0, $4  }
0x9: {  	s9 =	sor.u32 s0, s5;
	s4 =	simm.s32 $0x1;
	s30 =	sadd.s32 s7, s8  }
0xa: {  	s11 =	smov.u32 s3;
	[sflag:s4] =	ssyncpa.u1 $0x0;
	s5 =	smul.u32 $0x32, s30  }
0xb: {  	[sflag:s31] =	ssyncpa.u1 $0x0;
	p0 =	por $0x0, $0x0;
	s7 =	sshrl.u32 s9, $0x3  }
0xc: {  	s9 =	simm.s32 $0x2000;
	s10 =	smov.u32 s7;
	s8 =	sor.u32 $0x1, s5  }
.LBB1_4:
0xd: {  	s17 =	sand.u32 $0x1F80, s14;
	s13 =	sshll.u32 s13, $0xD  }
0xe: {  	[tilespmem:s16+$0x810 ss:$0x81] =	vst.msk $0xffff, v2;
	s18 =	sshrl.u32 s14, $0x3;
	s31 =	sand.u32 $0x7, s14;
	s17 =	sadd.s32 s2, s17  }
0xf: {  	[tilespmem:s16+$0x1020 ss:$0x81] =	vst.msk $0xffff, v0;
	s18 =	sand.u32 $0xF, s18;
	s14 =	sshll.u32 s31, $0x12;
	s13 =	sadd.s32 s13, s17  }
0x10: {  	[tilespmem:s16+$0x0 ss:$0x81] =	vst.msk $0xffff, v1;
	s14 =	sor.u32 $0x400, s14;
	s13 =	sadd.s32 s18, s13  }
0x11: {  	[hbm4b:s13+s14] =	stream.strided.scatter [tilespmem:s15], [sflag:$0x2], $0x2000, s9, s14, $0x20;
	[tilespmem:$0x8080] =	vst v63  }
.LBB1_5:
0x12: {  	s15 =	sadd.s32 $0x4, s10  }
0x13: {  	s13 =	sadd.s32 $0x400, s11;
	s17 =	smov.u32 s11;
	p2 =	sgt.s32 s15, $0xC7  }
0x14: {  	s17 =	smov.u32 @p2 s13  }
0x15: {  	s15 =	smov.u32 @p2 s7;
	p2 =	sgt.s32 s17, $0x3FF  }
0x16: {  	s17 =	smov.u32 @p2 s3;
	p2 =	sne.s32 s12, s8  }
.Ltmp1:
0x17: {  	p1 =	slt.u32 s12, $0x2;
	(pc) =	sbr.rel @!p2 .LBB1_6-.Ltmp1, $4  }
0x18: {  	s16 =	simm.s32 @!p1 $0x2  }
0x19: {  	s14 =	smov.u32 s11;
	p0 =	por !p0, !p0;
	_ =	swait.ge @!p1 [sflag:s16], $0x2000  }
0x1a: {  	s13 =	smov.u32 s10;
	[sflag:s16] =	ssyncset.done @!p1 $0x0;
	s10 =	smov.u32 s15  }
0x1b: {  	s12 =	sadd.s32 $0x1, s12;
	[sflag:s16] =	ssyncadd.s32 @!p1 $0xFFFFE000;
	s11 =	smov.u32 s17  }
.LBB1_1:
0x1c: {  	p1 =	sge.u32 s12, s5  }
0x1d: {  	s15 =	sand.u32 @!p1 $0x1FFFFFF, s10  }
0x1e: {  	s16 =	smulhi.u32 @!p1 $0x147AE15, s15;
	_ =	sdelay $0x1  }
0x1f: {  	s16 =	smul.u32 @!p1 $0xC8, s16  }
0x20: {  	s17 =	sxor.u32 @!p1 $0xFFFFFFFF, s12;
	s18 =	smul.u32 @!p1 $0xC80, s11  }
0x21: {  	s31 =	sadd.s32 $0xFFFFFFFF, s12;
	s17 =	sshll.u32 @!p1 s17, $0xD;
	s15 =	ssub.s32 @!p1 s15, s16  }
0x22: {  	s16 =	sand.u32 @!p1 $0x2000, s17;
	s17 =	sadd.s32 @!p1 s6, s18;
	s15 =	sshll.u32 @!p1 s15, $0x4  }
0x23: {  	s18 =	simm.s32 @!p1 $0x6400;
	s15 =	sadd.s32 @!p1 s15, s17;
	s17 =	simm.s32 @!p1 $0x40  }
0x24: {  	[tilespmem:s16], [sflag:$0x1] =	stream.strided.gather @!p1 [hbm4b:s15+s17], $0x2000, s18, s17, $0x38;
	[tilespmem:$0x8080] =	vst v63  }
0x25: {  	p1 =	sge.u32 s31, s5  }
.Ltmp2:
0x26: {  	_ = 	snop;
	(pc) =	sbr.rel @p1 .LBB1_5-.Ltmp2, $1  }
0x27: {  	_ =	sdelay $0x3  }
0x28: {  	s15 =	simm.s32 $0x1  }
0x29: {  	_ =	swait.ge [sflag:s4], $0x2000;
	s15 =	simm.s32 @!p0 $0x0  }
0x2a: {  	[sflag:s4] =	ssyncset.done $0x0;
	s16 =	sshll.u32 s15, $0xD  }
0x2b: {  	[sflag:s4] =	ssyncadd.s32 $0xFFFFE000;
	s19 =	sor.u32 $0x20, s16  }
0x2c: {  	s15 =	smul.u32 $0x8100, s15;
	v3 =	vld [tilespmem:s19+$0x10]  }
0x2d: {  	s30 =	sand.u32 $0x1, s12;
	v2 =	vld [tilespmem:s19+$0xFFFFFFF0]  }
0x2e: {  	s16 =	smul.u32 $0x8100, s30;
	s15 =	sshrl.u32 s15, $0x2;
	v0 =	vld [tilespmem:s19+$0x0]  }
0x2f: {  	v1 =	vld [tilespmem:s19+$0xFFFFFFE0];
	s17 =	sor.u32 $0x4000, s15  }
0x30: {  	s31 =	sshrl.u32 s16, $0x2;
	s16 =	sadd.s32 $0x0, s17  }
0x31: {  	s18 =	simm.s32 $0x4;
	s19 =	sadd.s32 $0x40, s19;
	s15 =	sor.u32 $0x4000, s31;
	[tilespmem:s16+$0x1830 ss:$0x81] =	vst.msk $0xffff, v3  }
.LBB1_3:
0x32: {  	v3 =	vld [tilespmem:s19+$0x10];
	p1 =	sne.s32 s18, $0x1FC;
	[tilespmem:s16+$0x810 ss:$0x81] =	vst.msk $0xffff, v2;
	s20 =	smov.u32 s18;
	s18 =	sadd.s32 $0x4, s18  }
.Ltmp3:
0x33: {  	v2 =	vld [tilespmem:s19+$0xFFFFFFF0];
	[tilespmem:s16+$0x1020 ss:$0x81] =	vst.msk $0xffff, v0;
	(pc) =	sbr.rel @p1 .LBB1_3-.Ltmp3, $4  }
0x34: {  	v0 =	vld [tilespmem:s19+$0x0];
	[tilespmem:s16+$0x0 ss:$0x81] =	vst.msk $0xffff, v1  }
0x35: {  	s16 =	sshra.s32 s20, $0x2;
	v1 =	vld [tilespmem:s19+$0xFFFFFFE0]  }
0x36: {  	s16 =	sadd.s32 s16, s17  }
0x37: {  	s19 =	sadd.s32 $0x40, s19;
	[tilespmem:s16+$0x1830 ss:$0x81] =	vst.msk $0xffff, v3  }
.Ltmp4:
0x38: {  	_ = 	snop;
	(pc) =	sbr.rel .LBB1_4-.Ltmp4, $1  }
0x39: {  	_ =	sdelay $0x3  }
.LBB1_6:
0x3a: {  	_ =	sfence.sel $0x180000  }
0x3b: {  	s2 =	simm.s32 $0x1;
	[bflag:$0x0] =	sbarrier.arrive $0xFFFF  }
0x3c: {  	s31 =	simm.s32 $0x2;
	[sflag:s2] =	ssyncpa.u1 $0x1  }
0x3d: {  	[sflag:s31] =	ssyncpa.u1 $0x1  }
0x3e: {  	p0 =	sne.s32 s0, $0x0;
	_ =	strace $0x90000051  }
0x3f: {  	s0 =	sadd.s32 @!p0 $0x100000, s1;
	[bflag:$0x2] =	sbarrier.arrive $0xFFFF  }
0x40: {  	[sflag:s0] =	ssyncadd.tile.s32 @!p0 $0x1;
	_ =	shalt  }
.Lfunc_end1:
_tile_overlayer_lowered:
.L_overlay_start_2:
0x41: {  	(tag) =	ssettag $0x2  }
0x42: {  	s0 =	rddreg [dreg:$0x0];
	s2 =	stileid.u32  }
0x43: {  	s1 =	rddreg [dreg:$0x1];
	p0 =	sne.s32 s2, $0x0  }
0x44: {  	s3 =	rddreg [dreg:$0x2];
	[bflag:$0x3] =	sbarrier.arrive $0xFFFF;
	s2 =	simm.s32 @!p0 $0x1C01  }
0x45: {  	[timem:s3], [sflag:s2] =	dma.local @!p0 [hbm:s0], s1  }
0x46: {  	s0 =	simm.s32 @!p0 $0x1  }
0x47: {  	_ =	swait.ge @!p0 [sflag:s0], s1  }
0x48: {  	s1 =	ssub.s32 @!p0 $0x0, s1;
	[sflag:s0] =	ssyncset.done @!p0 $0x0  }
0x49: {  	[sflag:s0] =	ssyncadd.s32 @!p0 s1  }
0x4a: {  	[bflag:$0x3] =	sbarrier.arrive $0xFFFF  }
0x4b: {  	_ =	shalt  }

</sc_bundles>
